<compile_context>
chip_gen: v7x
topology: tpu7x:2x2x1
jax: 0.10.2.dev20260603
libtpu: 0.0.44.dev20260713+nightly
codegen_flags: <defaults>
</compile_context>

<pallas_src>
import functools

import jax
import jax.numpy as jnp
from jax import lax
from jax.experimental import pallas as pl
from jax.experimental.pallas import tpu as pltpu
from jax.experimental.pallas import tpu_sc as plsc

N_SEG = 10000
N_ELEM = 320000
D = 128

NC = 2
NS = 16
ROWS_PER_TILE = N_ELEM // (NC * NS)
CHUNK = 128
N_FULL = ROWS_PER_TILE // CHUNK
TAIL = ROWS_PER_TILE - N_FULL * CHUNK
SLAB = 624
SLAB_CHUNKS = ((0, 128), (128, 128), (256, 128), (384, 128), (512, 112))
REM_START = NS * SLAB
REM = N_SEG - REM_START


def _sc_body(v_hbm, b_hbm, p_hbm, table, vbuf, idx_v, idx_t):
    c = lax.axis_index("c")
    s = lax.axis_index("s")
    wid = c * NS + s
    row0 = wid * ROWS_PER_TILE

    def zero_row(r, _):
        for k in range(D // 16):
            vbuf[r, pl.ds(k * 16, 16)] = jnp.zeros((16,), jnp.float32)
        return 0

    lax.fori_loop(0, CHUNK, zero_row, 0)

    for off, sz in SLAB_CHUNKS:
        pltpu.sync_copy(vbuf.at[pl.ds(0, sz)],
                        table.at[pl.ds(s * SLAB + off, sz)])

    @pl.when(s == NS - 1)
    def _zero_rem():
        pltpu.sync_copy(vbuf.at[pl.ds(0, REM)],
                        table.at[pl.ds(REM_START, REM)])

    plsc.subcore_barrier()

    def chunk_body(i, _):
        base = pl.multiple_of(row0 + i * CHUNK, 8)
        pltpu.sync_copy(b_hbm.at[pl.ds(base, CHUNK)], idx_v)
        pltpu.sync_copy(v_hbm.at[pl.ds(base, CHUNK)], vbuf)
        pltpu.sync_copy(vbuf, table.at[idx_v], add=True)
        return 0

    lax.fori_loop(0, N_FULL, chunk_body, 0)

    base_t = pl.multiple_of(row0 + N_FULL * CHUNK, 8)
    pltpu.sync_copy(b_hbm.at[pl.ds(base_t, TAIL)], idx_t)
    pltpu.sync_copy(v_hbm.at[pl.ds(base_t, TAIL)], vbuf.at[pl.ds(0, TAIL)])
    pltpu.sync_copy(vbuf.at[pl.ds(0, TAIL)], table.at[idx_t], add=True)

    plsc.subcore_barrier()

    for off, sz in SLAB_CHUNKS:
        r = s * SLAB + off
        pltpu.sync_copy(table.at[pl.ds(r, sz)], vbuf.at[pl.ds(0, sz)])
        pltpu.sync_copy(vbuf.at[pl.ds(0, sz)], p_hbm.at[c, pl.ds(r, sz)])

    @pl.when(s == NS - 1)
    def _write_rem():
        pltpu.sync_copy(table.at[pl.ds(REM_START, REM)],
                        vbuf.at[pl.ds(0, REM)])
        pltpu.sync_copy(vbuf.at[pl.ds(0, REM)],
                        p_hbm.at[c, pl.ds(REM_START, REM)])


_sc_scatter = functools.partial(
    pl.kernel,
    out_type=jax.ShapeDtypeStruct((NC, N_SEG, D), jnp.float32),
    mesh=plsc.VectorSubcoreMesh(core_axis_name="c", subcore_axis_name="s"),
    scratch_types=[
        pltpu.VMEM_SHARED((N_SEG, D), jnp.float32),
        pltpu.VMEM((CHUNK, D), jnp.float32),
        pltpu.VMEM((CHUNK,), jnp.int32),
        pltpu.VMEM((TAIL,), jnp.int32),
    ],
)(_sc_body)


def _combine_body(u_ref, p0_ref, p1_ref, o_ref):
    o_ref[...] = u_ref[...] + p0_ref[...] + p1_ref[...]


def _combine(u, p0, p1):
    blk = 1000
    spec = pl.BlockSpec((blk, D), lambda i: (i, 0))
    return pl.pallas_call(
        _combine_body,
        grid=(N_SEG // blk,),
        in_specs=[spec, spec, spec],
        out_specs=spec,
        out_shape=jax.ShapeDtypeStruct((N_SEG, D), jnp.float32),
    )(u, p0, p1)


@jax.jit
def kernel(u, v, batch):
    b32 = batch.astype(jnp.int32)
    p = _sc_scatter(v, b32)
    return _combine(u, p[0], p[1])

# --- scband reference (transcript-rebuilt; emitter-appended) ---
"""Pipeline reference for scband-update-u-40638980555087 (READ-ONLY COPY).

The authoritative reference and input builder live on the scoring server;
editing this copy changes nothing except your own understanding.
"""

import jax, jax.numpy as jnp
import numpy as np

N_SEGMENTS = 10000
N_ELEMS = 320000
D = 128

def setup_inputs(seed: int = 0) -> dict:
    key = jax.random.key(seed)
    k1, k2, k3 = jax.random.split(key, 3)
    u = jax.random.normal(k1, (N_SEGMENTS, D), dtype=jnp.float32)
    v = jax.random.normal(k2, (N_ELEMS, D), dtype=jnp.float32)
    batch = jnp.sort(jax.random.randint(k3, (N_ELEMS,), 0, N_SEGMENTS, dtype=jnp.int64))
    return {"u": u, "v": v, "batch": batch}

def reference(u, v, batch):
    # u += scatter(v, batch, dim=0)  -- default scatter reduce is sum
    seg = jax.ops.segment_sum(v, batch, num_segments=u.shape[0])
    return u + seg

if __name__ == "__main__":
    import jax
    _d = setup_inputs()
    print(jax.jit(kernel)(*tuple(_d.values())))

</pallas_src>

<mosaic_0001>
#map = affine_map<(d0, d1) -> (0, 0)>
#map1 = affine_map<(d0, d1) -> (0)>
#map2 = affine_map<(d0, d1) -> (0, 0, 0)>
module attributes {stable_mosaic.version = 14 : i64} {
  func.func @_sc_body(%arg0: i32, %arg1: i32, %arg2: memref<320000x128xf32, #tpu.memory_space<hbm>>, %arg3: memref<320000xi32, #tpu.memory_space<hbm>>, %arg4: memref<2x10000x128xf32, #tpu.memory_space<hbm>>, %arg5: memref<10000x128xf32, #tpu.memory_space<vmem_shared>>, %arg6: memref<128x128xf32, #tpu.memory_space<vmem>>, %arg7: memref<128xi32, #tpu.memory_space<vmem>>, %arg8: memref<16xi32, #tpu.memory_space<vmem>>) attributes {dimension_semantics = [#tpu.dimension_semantics<core_parallel>, #tpu.dimension_semantics<subcore_parallel>], iteration_bounds = array<i64: 2, 16>, scalar_prefetch = 0 : i64, scratch_operands = 4 : i64, tpu.core_type = #tpu.core_type<sc_vector_subcore>, window_params = [{transform_indices = #map}, {transform_indices = #map1}, {transform_indices = #map2}]} {
    %mul3A = arith.constant 16 : i32
    %mul3A_0 = arith.muli %arg0, %mul3A : i32
    %add3A = arith.addi %mul3A_0, %arg1 : i32
    %mul3A_1 = arith.constant 10000 : i32
    %mul3A_2 = arith.muli %add3A, %mul3A_1 : i32
    %scan3A = arith.constant 0 : i32
    %scan3A_3 = arith.constant 0 : i32
    %scan3A_4 = arith.constant 128 : i32
    %scan3A_5 = arith.addi %scan3A_3, %scan3A_4 : i32
    %scan3A_6 = arith.constant 1 : i32
    %scan3A_7 = scf.for %scan3A_66 = %scan3A_3 to %scan3A_5 step %scan3A_6 iter_args(%scan3A_67 = %scan3A) -> (i32)  : i32 {
      %broadcast_in_dim3A = arith.constant 0.000000e+00 : f32
      %broadcast_in_dim3A_68 = vector.broadcast %broadcast_in_dim3A : f32 to vector<16xf32>
      %swap3A = arith.index_cast %scan3A_66 : i32 to index
      %swap3A_69 = arith.constant 0 : index
      %swap3A_70 = tpu.vector_load %arg6[%swap3A, %swap3A_69] {strides = array<i32>} : memref<128x128xf32, #tpu.memory_space<vmem>>, vector<1x16xf32>,
      %swap3A_71 = vector.shape_cast %swap3A_70 : vector<1x16xf32> to vector<16xf32>
      %swap3A_72 = vector.shape_cast %broadcast_in_dim3A_68 : vector<16xf32> to vector<1x16xf32>
      tpu.vector_store %arg6[%swap3A, %swap3A_69], %swap3A_72 {strides = array<i32>} : memref<128x128xf32, #tpu.memory_space<vmem>>, vector<1x16xf32>,
      %broadcast_in_dim3A_73 = arith.constant 0.000000e+00 : f32
      %broadcast_in_dim3A_74 = vector.broadcast %broadcast_in_dim3A_73 : f32 to vector<16xf32>
      %swap3A_75 = arith.index_cast %scan3A_66 : i32 to index
      %swap3A_76 = arith.constant 16 : index
      %swap3A_77 = tpu.vector_load %arg6[%swap3A_75, %swap3A_76] {strides = array<i32>} : memref<128x128xf32, #tpu.memory_space<vmem>>, vector<1x16xf32>,
      %swap3A_78 = vector.shape_cast %swap3A_77 : vector<1x16xf32> to vector<16xf32>
      %swap3A_79 = vector.shape_cast %broadcast_in_dim3A_74 : vector<16xf32> to vector<1x16xf32>
      tpu.vector_store %arg6[%swap3A_75, %swap3A_76], %swap3A_79 {strides = array<i32>} : memref<128x128xf32, #tpu.memory_space<vmem>>, vector<1x16xf32>,
      %broadcast_in_dim3A_80 = arith.constant 0.000000e+00 : f32
      %broadcast_in_dim3A_81 = vector.broadcast %broadcast_in_dim3A_80 : f32 to vector<16xf32>
      %swap3A_82 = arith.index_cast %scan3A_66 : i32 to index
      %swap3A_83 = arith.constant 32 : index
      %swap3A_84 = tpu.vector_load %arg6[%swap3A_82, %swap3A_83] {strides = array<i32>} : memref<128x128xf32, #tpu.memory_space<vmem>>, vector<1x16xf32>,
      %swap3A_85 = vector.shape_cast %swap3A_84 : vector<1x16xf32> to vector<16xf32>
      %swap3A_86 = vector.shape_cast %broadcast_in_dim3A_81 : vector<16xf32> to vector<1x16xf32>
      tpu.vector_store %arg6[%swap3A_82, %swap3A_83], %swap3A_86 {strides = array<i32>} : memref<128x128xf32, #tpu.memory_space<vmem>>, vector<1x16xf32>,
      %broadcast_in_dim3A_87 = arith.constant 0.000000e+00 : f32
      %broadcast_in_dim3A_88 = vector.broadcast %broadcast_in_dim3A_87 : f32 to vector<16xf32>
      %swap3A_89 = arith.index_cast %scan3A_66 : i32 to index
      %swap3A_90 = arith.constant 48 : index
      %swap3A_91 = tpu.vector_load %arg6[%swap3A_89, %swap3A_90] {strides = array<i32>} : memref<128x128xf32, #tpu.memory_space<vmem>>, vector<1x16xf32>,
      %swap3A_92 = vector.shape_cast %swap3A_91 : vector<1x16xf32> to vector<16xf32>
      %swap3A_93 = vector.shape_cast %broadcast_in_dim3A_88 : vector<16xf32> to vector<1x16xf32>
      tpu.vector_store %arg6[%swap3A_89, %swap3A_90], %swap3A_93 {strides = array<i32>} : memref<128x128xf32, #tpu.memory_space<vmem>>, vector<1x16xf32>,
      %broadcast_in_dim3A_94 = arith.constant 0.000000e+00 : f32
      %broadcast_in_dim3A_95 = vector.broadcast %broadcast_in_dim3A_94 : f32 to vector<16xf32>
      %swap3A_96 = arith.index_cast %scan3A_66 : i32 to index
      %swap3A_97 = arith.constant 64 : index
      %swap3A_98 = tpu.vector_load %arg6[%swap3A_96, %swap3A_97] {strides = array<i32>} : memref<128x128xf32, #tpu.memory_space<vmem>>, vector<1x16xf32>,
      %swap3A_99 = vector.shape_cast %swap3A_98 : vector<1x16xf32> to vector<16xf32>
      %swap3A_100 = vector.shape_cast %broadcast_in_dim3A_95 : vector<16xf32> to vector<1x16xf32>
      tpu.vector_store %arg6[%swap3A_96, %swap3A_97], %swap3A_100 {strides = array<i32>} : memref<128x128xf32, #tpu.memory_space<vmem>>, vector<1x16xf32>,
      %broadcast_in_dim3A_101 = arith.constant 0.000000e+00 : f32
      %broadcast_in_dim3A_102 = vector.broadcast %broadcast_in_dim3A_101 : f32 to vector<16xf32>
      %swap3A_103 = arith.index_cast %scan3A_66 : i32 to index
      %swap3A_104 = arith.constant 80 : index
      %swap3A_105 = tpu.vector_load %arg6[%swap3A_103, %swap3A_104] {strides = array<i32>} : memref<128x128xf32, #tpu.memory_space<vmem>>, vector<1x16xf32>,
      %swap3A_106 = vector.shape_cast %swap3A_105 : vector<1x16xf32> to vector<16xf32>
      %swap3A_107 = vector.shape_cast %broadcast_in_dim3A_102 : vector<16xf32> to vector<1x16xf32>
      tpu.vector_store %arg6[%swap3A_103, %swap3A_104], %swap3A_107 {strides = array<i32>} : memref<128x128xf32, #tpu.memory_space<vmem>>, vector<1x16xf32>,
      %broadcast_in_dim3A_108 = arith.constant 0.000000e+00 : f32
      %broadcast_in_dim3A_109 = vector.broadcast %broadcast_in_dim3A_108 : f32 to vector<16xf32>
      %swap3A_110 = arith.index_cast %scan3A_66 : i32 to index
      %swap3A_111 = arith.constant 96 : index
      %swap3A_112 = tpu.vector_load %arg6[%swap3A_110, %swap3A_111] {strides = array<i32>} : memref<128x128xf32, #tpu.memory_space<vmem>>, vector<1x16xf32>,
      %swap3A_113 = vector.shape_cast %swap3A_112 : vector<1x16xf32> to vector<16xf32>
      %swap3A_114 = vector.shape_cast %broadcast_in_dim3A_109 : vector<16xf32> to vector<1x16xf32>
      tpu.vector_store %arg6[%swap3A_110, %swap3A_111], %swap3A_114 {strides = array<i32>} : memref<128x128xf32, #tpu.memory_space<vmem>>, vector<1x16xf32>,
      %broadcast_in_dim3A_115 = arith.constant 0.000000e+00 : f32
      %broadcast_in_dim3A_116 = vector.broadcast %broadcast_in_dim3A_115 : f32 to vector<16xf32>
      %swap3A_117 = arith.index_cast %scan3A_66 : i32 to index
      %swap3A_118 = arith.constant 112 : index
      %swap3A_119 = tpu.vector_load %arg6[%swap3A_117, %swap3A_118] {strides = array<i32>} : memref<128x128xf32, #tpu.memory_space<vmem>>, vector<1x16xf32>,
      %swap3A_120 = vector.shape_cast %swap3A_119 : vector<1x16xf32> to vector<16xf32>
      %swap3A_121 = vector.shape_cast %broadcast_in_dim3A_116 : vector<16xf32> to vector<1x16xf32>
      tpu.vector_store %arg6[%swap3A_117, %swap3A_118], %swap3A_121 {strides = array<i32>} : memref<128x128xf32, #tpu.memory_space<vmem>>, vector<1x16xf32>,
      %scan3A_122 = arith.constant 0 : i32
      scf.yield %scan3A_122 : i32
    }
    %scan3A_8 = arith.constant 128 : i32
    %mul3A_9 = arith.constant 624 : i32
    %mul3A_10 = arith.muli %arg1, %mul3A_9 : i32
    %add3A_11 = arith.constant 0 : i32
    %add3A_12 = arith.addi %mul3A_10, %add3A_11 : i32
    "tpu.region"() ({
      %run_scoped3A = tpu.sem_alloc : memref<!tpu.dma_semaphore, #tpu.memory_space<semaphore_mem>>
      %dma_start3A = arith.constant 0 : i32
      %dma_start3A_66 = arith.constant 0 : i32
      %dma_start3A_67 = tpu.memref_slice %arg6[%dma_start3A, %dma_start3A_66] : memref<128x128xf32, #tpu.memory_space<vmem>> -> memref<128x128xf32, #tpu.memory_space<vmem>>
      %dma_start3A_68 = arith.constant 0 : i32
      %dma_start3A_69 = tpu.memref_slice %arg5[%add3A_12, %dma_start3A_68] : memref<10000x128xf32, #tpu.memory_space<vmem_shared>> -> memref<128x128xf32, #tpu.memory_space<vmem_shared>>
      %dma_start3A_70 = arith.constant 0 : i32
      %dma_start3A_71 = tpu.memref_slice %arg5[%add3A_12, %dma_start3A_70] : memref<10000x128xf32, #tpu.memory_space<vmem_shared>> -> memref<128x128xf32, #tpu.memory_space<vmem_shared>>
      %dma_start3A_72 = arith.constant 0 : i32
      %dma_start3A_73 = arith.constant 0 : i32
      %dma_start3A_74 = tpu.memref_slice %arg6[%dma_start3A_72, %dma_start3A_73] : memref<128x128xf32, #tpu.memory_space<vmem>> -> memref<128x128xf32, #tpu.memory_space<vmem>>
      tpu.enqueue_dma source(%dma_start3A_74 : memref<128x128xf32, #tpu.memory_space<vmem>>) target(%dma_start3A_71 : memref<128x128xf32, #tpu.memory_space<vmem_shared>>) target_semaphore(%run_scoped3A : memref<!tpu.dma_semaphore, #tpu.memory_space<semaphore_mem>>)
      %dma_wait3A = arith.constant 0 : i32
      %dma_wait3A_75 = arith.constant 0 : i32
      %dma_wait3A_76 = tpu.memref_slice %arg6[%dma_wait3A, %dma_wait3A_75] : memref<128x128xf32, #tpu.memory_space<vmem>> -> memref<128x128xf32, #tpu.memory_space<vmem>>
      %dma_wait3A_77 = arith.constant 0 : i32
      %dma_wait3A_78 = tpu.memref_slice %arg5[%add3A_12, %dma_wait3A_77] : memref<10000x128xf32, #tpu.memory_space<vmem_shared>> -> memref<128x128xf32, #tpu.memory_space<vmem_shared>>
      %dma_wait3A_79 = arith.constant 0 : i32
      %dma_wait3A_80 = tpu.memref_slice %arg5[%add3A_12, %dma_wait3A_79] : memref<10000x128xf32, #tpu.memory_space<vmem_shared>> -> memref<128x128xf32, #tpu.memory_space<vmem_shared>>
      %dma_wait3A_81 = arith.constant 0 : i32
      %dma_wait3A_82 = arith.constant 0 : i32
      %dma_wait3A_83 = tpu.memref_slice %arg6[%dma_wait3A_81, %dma_wait3A_82] : memref<128x128xf32, #tpu.memory_space<vmem>> -> memref<128x128xf32, #tpu.memory_space<vmem>>
      tpu.wait_dma2 semaphore(%run_scoped3A : memref<!tpu.dma_semaphore, #tpu.memory_space<semaphore_mem>>) src(%dma_wait3A_83 : memref<128x128xf32, #tpu.memory_space<vmem>>) dst(%dma_wait3A_80 : memref<128x128xf32, #tpu.memory_space<vmem_shared>>)
      tpu.yield
    }) : () -> ()
    %mul3A_13 = arith.constant 624 : i32
    %mul3A_14 = arith.muli %arg1, %mul3A_13 : i32
    %add3A_15 = arith.constant 128 : i32
    %add3A_16 = arith.addi %mul3A_14, %add3A_15 : i32
    "tpu.region"() ({
      %run_scoped3A = tpu.sem_alloc : memref<!tpu.dma_semaphore, #tpu.memory_space<semaphore_mem>>
      %dma_start3A = arith.constant 0 : i32
      %dma_start3A_66 = arith.constant 0 : i32
      %dma_start3A_67 = tpu.memref_slice %arg6[%dma_start3A, %dma_start3A_66] : memref<128x128xf32, #tpu.memory_space<vmem>> -> memref<128x128xf32, #tpu.memory_space<vmem>>
      %dma_start3A_68 = arith.constant 0 : i32
      %dma_start3A_69 = tpu.memref_slice %arg5[%add3A_16, %dma_start3A_68] : memref<10000x128xf32, #tpu.memory_space<vmem_shared>> -> memref<128x128xf32, #tpu.memory_space<vmem_shared>>
      %dma_start3A_70 = arith.constant 0 : i32
      %dma_start3A_71 = tpu.memref_slice %arg5[%add3A_16, %dma_start3A_70] : memref<10000x128xf32, #tpu.memory_space<vmem_shared>> -> memref<128x128xf32, #tpu.memory_space<vmem_shared>>
      %dma_start3A_72 = arith.constant 0 : i32
      %dma_start3A_73 = arith.constant 0 : i32
      %dma_start3A_74 = tpu.memref_slice %arg6[%dma_start3A_72, %dma_start3A_73] : memref<128x128xf32, #tpu.memory_space<vmem>> -> memref<128x128xf32, #tpu.memory_space<vmem>>
      tpu.enqueue_dma source(%dma_start3A_74 : memref<128x128xf32, #tpu.memory_space<vmem>>) target(%dma_start3A_71 : memref<128x128xf32, #tpu.memory_space<vmem_shared>>) target_semaphore(%run_scoped3A : memref<!tpu.dma_semaphore, #tpu.memory_space<semaphore_mem>>)
      %dma_wait3A = arith.constant 0 : i32
      %dma_wait3A_75 = arith.constant 0 : i32
      %dma_wait3A_76 = tpu.memref_slice %arg6[%dma_wait3A, %dma_wait3A_75] : memref<128x128xf32, #tpu.memory_space<vmem>> -> memref<128x128xf32, #tpu.memory_space<vmem>>
      %dma_wait3A_77 = arith.constant 0 : i32
      %dma_wait3A_78 = tpu.memref_slice %arg5[%add3A_16, %dma_wait3A_77] : memref<10000x128xf32, #tpu.memory_space<vmem_shared>> -> memref<128x128xf32, #tpu.memory_space<vmem_shared>>
      %dma_wait3A_79 = arith.constant 0 : i32
      %dma_wait3A_80 = tpu.memref_slice %arg5[%add3A_16, %dma_wait3A_79] : memref<10000x128xf32, #tpu.memory_space<vmem_shared>> -> memref<128x128xf32, #tpu.memory_space<vmem_shared>>
      %dma_wait3A_81 = arith.constant 0 : i32
      %dma_wait3A_82 = arith.constant 0 : i32
      %dma_wait3A_83 = tpu.memref_slice %arg6[%dma_wait3A_81, %dma_wait3A_82] : memref<128x128xf32, #tpu.memory_space<vmem>> -> memref<128x128xf32, #tpu.memory_space<vmem>>
      tpu.wait_dma2 semaphore(%run_scoped3A : memref<!tpu.dma_semaphore, #tpu.memory_space<semaphore_mem>>) src(%dma_wait3A_83 : memref<128x128xf32, #tpu.memory_space<vmem>>) dst(%dma_wait3A_80 : memref<128x128xf32, #tpu.memory_space<vmem_shared>>)
      tpu.yield
    }) : () -> ()
    %mul3A_17 = arith.constant 624 : i32
    %mul3A_18 = arith.muli %arg1, %mul3A_17 : i32
    %add3A_19 = arith.constant 256 : i32
    %add3A_20 = arith.addi %mul3A_18, %add3A_19 : i32
    "tpu.region"() ({
      %run_scoped3A = tpu.sem_alloc : memref<!tpu.dma_semaphore, #tpu.memory_space<semaphore_mem>>
      %dma_start3A = arith.constant 0 : i32
      %dma_start3A_66 = arith.constant 0 : i32
      %dma_start3A_67 = tpu.memref_slice %arg6[%dma_start3A, %dma_start3A_66] : memref<128x128xf32, #tpu.memory_space<vmem>> -> memref<128x128xf32, #tpu.memory_space<vmem>>
      %dma_start3A_68 = arith.constant 0 : i32
      %dma_start3A_69 = tpu.memref_slice %arg5[%add3A_20, %dma_start3A_68] : memref<10000x128xf32, #tpu.memory_space<vmem_shared>> -> memref<128x128xf32, #tpu.memory_space<vmem_shared>>
      %dma_start3A_70 = arith.constant 0 : i32
      %dma_start3A_71 = tpu.memref_slice %arg5[%add3A_20, %dma_start3A_70] : memref<10000x128xf32, #tpu.memory_space<vmem_shared>> -> memref<128x128xf32, #tpu.memory_space<vmem_shared>>
      %dma_start3A_72 = arith.constant 0 : i32
      %dma_start3A_73 = arith.constant 0 : i32
      %dma_start3A_74 = tpu.memref_slice %arg6[%dma_start3A_72, %dma_start3A_73] : memref<128x128xf32, #tpu.memory_space<vmem>> -> memref<128x128xf32, #tpu.memory_space<vmem>>
      tpu.enqueue_dma source(%dma_start3A_74 : memref<128x128xf32, #tpu.memory_space<vmem>>) target(%dma_start3A_71 : memref<128x128xf32, #tpu.memory_space<vmem_shared>>) target_semaphore(%run_scoped3A : memref<!tpu.dma_semaphore, #tpu.memory_space<semaphore_mem>>)
      %dma_wait3A = arith.constant 0 : i32
      %dma_wait3A_75 = arith.constant 0 : i32
      %dma_wait3A_76 = tpu.memref_slice %arg6[%dma_wait3A, %dma_wait3A_75] : memref<128x128xf32, #tpu.memory_space<vmem>> -> memref<128x128xf32, #tpu.memory_space<vmem>>
      %dma_wait3A_77 = arith.constant 0 : i32
      %dma_wait3A_78 = tpu.memref_slice %arg5[%add3A_20, %dma_wait3A_77] : memref<10000x128xf32, #tpu.memory_space<vmem_shared>> -> memref<128x128xf32, #tpu.memory_space<vmem_shared>>
      %dma_wait3A_79 = arith.constant 0 : i32
      %dma_wait3A_80 = tpu.memref_slice %arg5[%add3A_20, %dma_wait3A_79] : memref<10000x128xf32, #tpu.memory_space<vmem_shared>> -> memref<128x128xf32, #tpu.memory_space<vmem_shared>>
      %dma_wait3A_81 = arith.constant 0 : i32
      %dma_wait3A_82 = arith.constant 0 : i32
      %dma_wait3A_83 = tpu.memref_slice %arg6[%dma_wait3A_81, %dma_wait3A_82] : memref<128x128xf32, #tpu.memory_space<vmem>> -> memref<128x128xf32, #tpu.memory_space<vmem>>
      tpu.wait_dma2 semaphore(%run_scoped3A : memref<!tpu.dma_semaphore, #tpu.memory_space<semaphore_mem>>) src(%dma_wait3A_83 : memref<128x128xf32, #tpu.memory_space<vmem>>) dst(%dma_wait3A_80 : memref<128x128xf32, #tpu.memory_space<vmem_shared>>)
      tpu.yield
    }) : () -> ()
    %mul3A_21 = arith.constant 624 : i32
    %mul3A_22 = arith.muli %arg1, %mul3A_21 : i32
    %add3A_23 = arith.constant 384 : i32
    %add3A_24 = arith.addi %mul3A_22, %add3A_23 : i32
    "tpu.region"() ({
      %run_scoped3A = tpu.sem_alloc : memref<!tpu.dma_semaphore, #tpu.memory_space<semaphore_mem>>
      %dma_start3A = arith.constant 0 : i32
      %dma_start3A_66 = arith.constant 0 : i32
      %dma_start3A_67 = tpu.memref_slice %arg6[%dma_start3A, %dma_start3A_66] : memref<128x128xf32, #tpu.memory_space<vmem>> -> memref<128x128xf32, #tpu.memory_space<vmem>>
      %dma_start3A_68 = arith.constant 0 : i32
      %dma_start3A_69 = tpu.memref_slice %arg5[%add3A_24, %dma_start3A_68] : memref<10000x128xf32, #tpu.memory_space<vmem_shared>> -> memref<128x128xf32, #tpu.memory_space<vmem_shared>>
      %dma_start3A_70 = arith.constant 0 : i32
      %dma_start3A_71 = tpu.memref_slice %arg5[%add3A_24, %dma_start3A_70] : memref<10000x128xf32, #tpu.memory_space<vmem_shared>> -> memref<128x128xf32, #tpu.memory_space<vmem_shared>>
      %dma_start3A_72 = arith.constant 0 : i32
      %dma_start3A_73 = arith.constant 0 : i32
      %dma_start3A_74 = tpu.memref_slice %arg6[%dma_start3A_72, %dma_start3A_73] : memref<128x128xf32, #tpu.memory_space<vmem>> -> memref<128x128xf32, #tpu.memory_space<vmem>>
      tpu.enqueue_dma source(%dma_start3A_74 : memref<128x128xf32, #tpu.memory_space<vmem>>) target(%dma_start3A_71 : memref<128x128xf32, #tpu.memory_space<vmem_shared>>) target_semaphore(%run_scoped3A : memref<!tpu.dma_semaphore, #tpu.memory_space<semaphore_mem>>)
      %dma_wait3A = arith.constant 0 : i32
      %dma_wait3A_75 = arith.constant 0 : i32
      %dma_wait3A_76 = tpu.memref_slice %arg6[%dma_wait3A, %dma_wait3A_75] : memref<128x128xf32, #tpu.memory_space<vmem>> -> memref<128x128xf32, #tpu.memory_space<vmem>>
      %dma_wait3A_77 = arith.constant 0 : i32
      %dma_wait3A_78 = tpu.memref_slice %arg5[%add3A_24, %dma_wait3A_77] : memref<10000x128xf32, #tpu.memory_space<vmem_shared>> -> memref<128x128xf32, #tpu.memory_space<vmem_shared>>
      %dma_wait3A_79 = arith.constant 0 : i32
      %dma_wait3A_80 = tpu.memref_slice %arg5[%add3A_24, %dma_wait3A_79] : memref<10000x128xf32, #tpu.memory_space<vmem_shared>> -> memref<128x128xf32, #tpu.memory_space<vmem_shared>>
      %dma_wait3A_81 = arith.constant 0 : i32
      %dma_wait3A_82 = arith.constant 0 : i32
      %dma_wait3A_83 = tpu.memref_slice %arg6[%dma_wait3A_81, %dma_wait3A_82] : memref<128x128xf32, #tpu.memory_space<vmem>> -> memref<128x128xf32, #tpu.memory_space<vmem>>
      tpu.wait_dma2 semaphore(%run_scoped3A : memref<!tpu.dma_semaphore, #tpu.memory_space<semaphore_mem>>) src(%dma_wait3A_83 : memref<128x128xf32, #tpu.memory_space<vmem>>) dst(%dma_wait3A_80 : memref<128x128xf32, #tpu.memory_space<vmem_shared>>)
      tpu.yield
    }) : () -> ()
    %mul3A_25 = arith.constant 624 : i32
    %mul3A_26 = arith.muli %arg1, %mul3A_25 : i32
    %add3A_27 = arith.constant 512 : i32
    %add3A_28 = arith.addi %mul3A_26, %add3A_27 : i32
    "tpu.region"() ({
      %run_scoped3A = tpu.sem_alloc : memref<!tpu.dma_semaphore, #tpu.memory_space<semaphore_mem>>
      %dma_start3A = arith.constant 0 : i32
      %dma_start3A_66 = arith.constant 0 : i32
      %dma_start3A_67 = tpu.memref_slice %arg6[%dma_start3A, %dma_start3A_66] : memref<128x128xf32, #tpu.memory_space<vmem>> -> memref<112x128xf32, #tpu.memory_space<vmem>>
      %dma_start3A_68 = arith.constant 0 : i32
      %dma_start3A_69 = tpu.memref_slice %arg5[%add3A_28, %dma_start3A_68] : memref<10000x128xf32, #tpu.memory_space<vmem_shared>> -> memref<112x128xf32, #tpu.memory_space<vmem_shared>>
      %dma_start3A_70 = arith.constant 0 : i32
      %dma_start3A_71 = tpu.memref_slice %arg5[%add3A_28, %dma_start3A_70] : memref<10000x128xf32, #tpu.memory_space<vmem_shared>> -> memref<112x128xf32, #tpu.memory_space<vmem_shared>>
      %dma_start3A_72 = arith.constant 0 : i32
      %dma_start3A_73 = arith.constant 0 : i32
      %dma_start3A_74 = tpu.memref_slice %arg6[%dma_start3A_72, %dma_start3A_73] : memref<128x128xf32, #tpu.memory_space<vmem>> -> memref<112x128xf32, #tpu.memory_space<vmem>>
      tpu.enqueue_dma source(%dma_start3A_74 : memref<112x128xf32, #tpu.memory_space<vmem>>) target(%dma_start3A_71 : memref<112x128xf32, #tpu.memory_space<vmem_shared>>) target_semaphore(%run_scoped3A : memref<!tpu.dma_semaphore, #tpu.memory_space<semaphore_mem>>)
      %dma_wait3A = arith.constant 0 : i32
      %dma_wait3A_75 = arith.constant 0 : i32
      %dma_wait3A_76 = tpu.memref_slice %arg6[%dma_wait3A, %dma_wait3A_75] : memref<128x128xf32, #tpu.memory_space<vmem>> -> memref<112x128xf32, #tpu.memory_space<vmem>>
      %dma_wait3A_77 = arith.constant 0 : i32
      %dma_wait3A_78 = tpu.memref_slice %arg5[%add3A_28, %dma_wait3A_77] : memref<10000x128xf32, #tpu.memory_space<vmem_shared>> -> memref<112x128xf32, #tpu.memory_space<vmem_shared>>
      %dma_wait3A_79 = arith.constant 0 : i32
      %dma_wait3A_80 = tpu.memref_slice %arg5[%add3A_28, %dma_wait3A_79] : memref<10000x128xf32, #tpu.memory_space<vmem_shared>> -> memref<112x128xf32, #tpu.memory_space<vmem_shared>>
      %dma_wait3A_81 = arith.constant 0 : i32
      %dma_wait3A_82 = arith.constant 0 : i32
      %dma_wait3A_83 = tpu.memref_slice %arg6[%dma_wait3A_81, %dma_wait3A_82] : memref<128x128xf32, #tpu.memory_space<vmem>> -> memref<112x128xf32, #tpu.memory_space<vmem>>
      tpu.wait_dma2 semaphore(%run_scoped3A : memref<!tpu.dma_semaphore, #tpu.memory_space<semaphore_mem>>) src(%dma_wait3A_83 : memref<112x128xf32, #tpu.memory_space<vmem>>) dst(%dma_wait3A_80 : memref<112x128xf32, #tpu.memory_space<vmem_shared>>)
      tpu.yield
    }) : () -> ()
    %eq3A = arith.constant 15 : i32
    %eq3A_29 = arith.cmpi eq, %arg1, %eq3A : i32
    %convert_element_type3A = arith.extui %eq3A_29 : i1 to i32
    %cond3A = arith.constant 0 : i32
    %cond3A_30 = arith.cmpi ne, %convert_element_type3A, %cond3A : i32
    scf.if %cond3A_30 {
      "tpu.region"() ({
        %run_scoped3A = tpu.sem_alloc : memref<!tpu.dma_semaphore, #tpu.memory_space<semaphore_mem>>
        %dma_start3A = arith.constant 0 : i32
        %dma_start3A_66 = arith.constant 0 : i32
        %dma_start3A_67 = tpu.memref_slice %arg6[%dma_start3A, %dma_start3A_66] : memref<128x128xf32, #tpu.memory_space<vmem>> -> memref<16x128xf32, #tpu.memory_space<vmem>>
        %dma_start3A_68 = arith.constant 9984 : i32
        %dma_start3A_69 = arith.constant 0 : i32
        %dma_start3A_70 = tpu.memref_slice %arg5[%dma_start3A_68, %dma_start3A_69] : memref<10000x128xf32, #tpu.memory_space<vmem_shared>> -> memref<16x128xf32, #tpu.memory_space<vmem_shared>>
        %dma_start3A_71 = arith.constant 9984 : i32
        %dma_start3A_72 = arith.constant 0 : i32
        %dma_start3A_73 = tpu.memref_slice %arg5[%dma_start3A_71, %dma_start3A_72] : memref<10000x128xf32, #tpu.memory_space<vmem_shared>> -> memref<16x128xf32, #tpu.memory_space<vmem_shared>>
        %dma_start3A_74 = arith.constant 0 : i32
        %dma_start3A_75 = arith.constant 0 : i32
        %dma_start3A_76 = tpu.memref_slice %arg6[%dma_start3A_74, %dma_start3A_75] : memref<128x128xf32, #tpu.memory_space<vmem>> -> memref<16x128xf32, #tpu.memory_space<vmem>>
        tpu.enqueue_dma source(%dma_start3A_76 : memref<16x128xf32, #tpu.memory_space<vmem>>) target(%dma_start3A_73 : memref<16x128xf32, #tpu.memory_space<vmem_shared>>) target_semaphore(%run_scoped3A : memref<!tpu.dma_semaphore, #tpu.memory_space<semaphore_mem>>)
        %dma_wait3A = arith.constant 0 : i32
        %dma_wait3A_77 = arith.constant 0 : i32
        %dma_wait3A_78 = tpu.memref_slice %arg6[%dma_wait3A, %dma_wait3A_77] : memref<128x128xf32, #tpu.memory_space<vmem>> -> memref<16x128xf32, #tpu.memory_space<vmem>>
        %dma_wait3A_79 = arith.constant 9984 : i32
        %dma_wait3A_80 = arith.constant 0 : i32
        %dma_wait3A_81 = tpu.memref_slice %arg5[%dma_wait3A_79, %dma_wait3A_80] : memref<10000x128xf32, #tpu.memory_space<vmem_shared>> -> memref<16x128xf32, #tpu.memory_space<vmem_shared>>
        %dma_wait3A_82 = arith.constant 9984 : i32
        %dma_wait3A_83 = arith.constant 0 : i32
        %dma_wait3A_84 = tpu.memref_slice %arg5[%dma_wait3A_82, %dma_wait3A_83] : memref<10000x128xf32, #tpu.memory_space<vmem_shared>> -> memref<16x128xf32, #tpu.memory_space<vmem_shared>>
        %dma_wait3A_85 = arith.constant 0 : i32
        %dma_wait3A_86 = arith.constant 0 : i32
        %dma_wait3A_87 = tpu.memref_slice %arg6[%dma_wait3A_85, %dma_wait3A_86] : memref<128x128xf32, #tpu.memory_space<vmem>> -> memref<16x128xf32, #tpu.memory_space<vmem>>
        tpu.wait_dma2 semaphore(%run_scoped3A : memref<!tpu.dma_semaphore, #tpu.memory_space<semaphore_mem>>) src(%dma_wait3A_87 : memref<16x128xf32, #tpu.memory_space<vmem>>) dst(%dma_wait3A_84 : memref<16x128xf32, #tpu.memory_space<vmem_shared>>)
        tpu.yield
      }) : () -> ()
    } else {
    }
    %barrier3A = arith.constant 0 : index
    tpu.barrier barrier_id(%barrier3A)
    %scan3A_31 = arith.constant 0 : i32
    %scan3A_32 = arith.constant 0 : i32
    %scan3A_33 = arith.constant 78 : i32
    %scan3A_34 = arith.addi %scan3A_32, %scan3A_33 : i32
    %scan3A_35 = arith.constant 1 : i32
    %scan3A_36 = scf.for %scan3A_66 = %scan3A_32 to %scan3A_34 step %scan3A_35 iter_args(%scan3A_67 = %scan3A_31) -> (i32)  : i32 {
      %mul3A_68 = arith.constant 128 : i32
      %mul3A_69 = arith.muli %scan3A_66, %mul3A_68 : i32
      %add3A_70 = arith.addi %mul3A_2, %mul3A_69 : i32
      %multiple_of3A_71 = tpu.assume_multiple %add3A_70, 8 : i32
      "tpu.region"() ({
        %run_scoped3A = tpu.sem_alloc : memref<!tpu.dma_semaphore, #tpu.memory_space<semaphore_mem>>
        %dma_start3A = tpu.memref_slice %arg3[%multiple_of3A_71] : memref<320000xi32, #tpu.memory_space<hbm>> -> memref<128xi32, #tpu.memory_space<hbm>>
        %dma_start3A_73 = tpu.memref_slice %arg3[%multiple_of3A_71] : memref<320000xi32, #tpu.memory_space<hbm>> -> memref<128xi32, #tpu.memory_space<hbm>>
        tpu.enqueue_dma source(%dma_start3A_73 : memref<128xi32, #tpu.memory_space<hbm>>) target(%arg7 : memref<128xi32, #tpu.memory_space<vmem>>) target_semaphore(%run_scoped3A : memref<!tpu.dma_semaphore, #tpu.memory_space<semaphore_mem>>)
        %dma_wait3A = tpu.memref_slice %arg3[%multiple_of3A_71] : memref<320000xi32, #tpu.memory_space<hbm>> -> memref<128xi32, #tpu.memory_space<hbm>>
        %dma_wait3A_74 = tpu.memref_slice %arg3[%multiple_of3A_71] : memref<320000xi32, #tpu.memory_space<hbm>> -> memref<128xi32, #tpu.memory_space<hbm>>
        tpu.wait_dma2 semaphore(%run_scoped3A : memref<!tpu.dma_semaphore, #tpu.memory_space<semaphore_mem>>) src(%dma_wait3A_74 : memref<128xi32, #tpu.memory_space<hbm>>) dst(%arg7 : memref<128xi32, #tpu.memory_space<vmem>>)
        tpu.yield
      }) : () -> ()
      "tpu.region"() ({
        %run_scoped3A = tpu.sem_alloc : memref<!tpu.dma_semaphore, #tpu.memory_space<semaphore_mem>>
        %dma_start3A = arith.constant 0 : i32
        %dma_start3A_73 = tpu.memref_slice %arg2[%multiple_of3A_71, %dma_start3A] : memref<320000x128xf32, #tpu.memory_space<hbm>> -> memref<128x128xf32, #tpu.memory_space<hbm>>
        %dma_start3A_74 = arith.constant 0 : i32
        %dma_start3A_75 = tpu.memref_slice %arg2[%multiple_of3A_71, %dma_start3A_74] : memref<320000x128xf32, #tpu.memory_space<hbm>> -> memref<128x128xf32, #tpu.memory_space<hbm>>
        tpu.enqueue_dma source(%dma_start3A_75 : memref<128x128xf32, #tpu.memory_space<hbm>>) target(%arg6 : memref<128x128xf32, #tpu.memory_space<vmem>>) target_semaphore(%run_scoped3A : memref<!tpu.dma_semaphore, #tpu.memory_space<semaphore_mem>>)
        %dma_wait3A = arith.constant 0 : i32
        %dma_wait3A_76 = tpu.memref_slice %arg2[%multiple_of3A_71, %dma_wait3A] : memref<320000x128xf32, #tpu.memory_space<hbm>> -> memref<128x128xf32, #tpu.memory_space<hbm>>
        %dma_wait3A_77 = arith.constant 0 : i32
        %dma_wait3A_78 = tpu.memref_slice %arg2[%multiple_of3A_71, %dma_wait3A_77] : memref<320000x128xf32, #tpu.memory_space<hbm>> -> memref<128x128xf32, #tpu.memory_space<hbm>>
        tpu.wait_dma2 semaphore(%run_scoped3A : memref<!tpu.dma_semaphore, #tpu.memory_space<semaphore_mem>>) src(%dma_wait3A_78 : memref<128x128xf32, #tpu.memory_space<hbm>>) dst(%arg6 : memref<128x128xf32, #tpu.memory_space<vmem>>)
        tpu.yield
      }) : () -> ()
      "tpu.region"() ({
        %run_scoped3A = tpu.sem_alloc : memref<!tpu.dma_semaphore, #tpu.memory_space<semaphore_mem>>
        %dma_start3A = arith.constant 0 : i32
        %dma_start3A_73 = arith.constant 0 : i32
        %dma_start3A_74 = tpu.memref_slice %arg5[%dma_start3A, %dma_start3A_73] : memref<10000x128xf32, #tpu.memory_space<vmem_shared>> -> memref<10000x128xf32, #tpu.memory_space<vmem_shared>>
        tpu.enqueue_indirect_dma source(%arg6 : memref<128x128xf32, #tpu.memory_space<vmem>>) target(%dma_start3A_74 : memref<10000x128xf32, #tpu.memory_space<vmem_shared>>) offsets(%arg7 : memref<128xi32, #tpu.memory_space<vmem>>) semaphore(%run_scoped3A : memref<!tpu.dma_semaphore, #tpu.memory_space<semaphore_mem>>) {add = true}
        %dma_wait3A = arith.constant 0 : i32
        %dma_wait3A_75 = arith.constant 0 : i32
        %dma_wait3A_76 = tpu.memref_slice %arg5[%dma_wait3A, %dma_wait3A_75] : memref<10000x128xf32, #tpu.memory_space<vmem_shared>> -> memref<10000x128xf32, #tpu.memory_space<vmem_shared>>
        tpu.wait_indirect_dma semaphore(%run_scoped3A : memref<!tpu.dma_semaphore, #tpu.memory_space<semaphore_mem>>) src(%arg6 : memref<128x128xf32, #tpu.memory_space<vmem>>) dst(%dma_wait3A_76 : memref<10000x128xf32, #tpu.memory_space<vmem_shared>>)
        tpu.yield
      }) : () -> ()
      %scan3A_72 = arith.constant 0 : i32
      scf.yield %scan3A_72 : i32
    }
    %scan3A_37 = arith.constant 78 : i32
    %add3A_38 = arith.constant 9984 : i32
    %add3A_39 = arith.addi %mul3A_2, %add3A_38 : i32
    %multiple_of3A = tpu.assume_multiple %add3A_39, 8 : i32
    "tpu.region"() ({
      %run_scoped3A = tpu.sem_alloc : memref<!tpu.dma_semaphore, #tpu.memory_space<semaphore_mem>>
      %dma_start3A = tpu.memref_slice %arg3[%multiple_of3A] : memref<320000xi32, #tpu.memory_space<hbm>> -> memref<16xi32, #tpu.memory_space<hbm>>
      %dma_start3A_66 = tpu.memref_slice %arg3[%multiple_of3A] : memref<320000xi32, #tpu.memory_space<hbm>> -> memref<16xi32, #tpu.memory_space<hbm>>
      tpu.enqueue_dma source(%dma_start3A_66 : memref<16xi32, #tpu.memory_space<hbm>>) target(%arg8 : memref<16xi32, #tpu.memory_space<vmem>>) target_semaphore(%run_scoped3A : memref<!tpu.dma_semaphore, #tpu.memory_space<semaphore_mem>>)
      %dma_wait3A = tpu.memref_slice %arg3[%multiple_of3A] : memref<320000xi32, #tpu.memory_space<hbm>> -> memref<16xi32, #tpu.memory_space<hbm>>
      %dma_wait3A_67 = tpu.memref_slice %arg3[%multiple_of3A] : memref<320000xi32, #tpu.memory_space<hbm>> -> memref<16xi32, #tpu.memory_space<hbm>>
      tpu.wait_dma2 semaphore(%run_scoped3A : memref<!tpu.dma_semaphore, #tpu.memory_space<semaphore_mem>>) src(%dma_wait3A_67 : memref<16xi32, #tpu.memory_space<hbm>>) dst(%arg8 : memref<16xi32, #tpu.memory_space<vmem>>)
      tpu.yield
    }) : () -> ()
    "tpu.region"() ({
      %run_scoped3A = tpu.sem_alloc : memref<!tpu.dma_semaphore, #tpu.memory_space<semaphore_mem>>
      %dma_start3A = arith.constant 0 : i32
      %dma_start3A_66 = arith.constant 0 : i32
      %dma_start3A_67 = tpu.memref_slice %arg6[%dma_start3A, %dma_start3A_66] : memref<128x128xf32, #tpu.memory_space<vmem>> -> memref<16x128xf32, #tpu.memory_space<vmem>>
      %dma_start3A_68 = arith.constant 0 : i32
      %dma_start3A_69 = tpu.memref_slice %arg2[%multiple_of3A, %dma_start3A_68] : memref<320000x128xf32, #tpu.memory_space<hbm>> -> memref<16x128xf32, #tpu.memory_space<hbm>>
      %dma_start3A_70 = arith.constant 0 : i32
      %dma_start3A_71 = arith.constant 0 : i32
      %dma_start3A_72 = tpu.memref_slice %arg6[%dma_start3A_70, %dma_start3A_71] : memref<128x128xf32, #tpu.memory_space<vmem>> -> memref<16x128xf32, #tpu.memory_space<vmem>>
      %dma_start3A_73 = arith.constant 0 : i32
      %dma_start3A_74 = tpu.memref_slice %arg2[%multiple_of3A, %dma_start3A_73] : memref<320000x128xf32, #tpu.memory_space<hbm>> -> memref<16x128xf32, #tpu.memory_space<hbm>>
      tpu.enqueue_dma source(%dma_start3A_74 : memref<16x128xf32, #tpu.memory_space<hbm>>) target(%dma_start3A_72 : memref<16x128xf32, #tpu.memory_space<vmem>>) target_semaphore(%run_scoped3A : memref<!tpu.dma_semaphore, #tpu.memory_space<semaphore_mem>>)
      %dma_wait3A = arith.constant 0 : i32
      %dma_wait3A_75 = arith.constant 0 : i32
      %dma_wait3A_76 = tpu.memref_slice %arg6[%dma_wait3A, %dma_wait3A_75] : memref<128x128xf32, #tpu.memory_space<vmem>> -> memref<16x128xf32, #tpu.memory_space<vmem>>
      %dma_wait3A_77 = arith.constant 0 : i32
      %dma_wait3A_78 = tpu.memref_slice %arg2[%multiple_of3A, %dma_wait3A_77] : memref<320000x128xf32, #tpu.memory_space<hbm>> -> memref<16x128xf32, #tpu.memory_space<hbm>>
      %dma_wait3A_79 = arith.constant 0 : i32
      %dma_wait3A_80 = arith.constant 0 : i32
      %dma_wait3A_81 = tpu.memref_slice %arg6[%dma_wait3A_79, %dma_wait3A_80] : memref<128x128xf32, #tpu.memory_space<vmem>> -> memref<16x128xf32, #tpu.memory_space<vmem>>
      %dma_wait3A_82 = arith.constant 0 : i32
      %dma_wait3A_83 = tpu.memref_slice %arg2[%multiple_of3A, %dma_wait3A_82] : memref<320000x128xf32, #tpu.memory_space<hbm>> -> memref<16x128xf32, #tpu.memory_space<hbm>>
      tpu.wait_dma2 semaphore(%run_scoped3A : memref<!tpu.dma_semaphore, #tpu.memory_space<semaphore_mem>>) src(%dma_wait3A_83 : memref<16x128xf32, #tpu.memory_space<hbm>>) dst(%dma_wait3A_81 : memref<16x128xf32, #tpu.memory_space<vmem>>)
      tpu.yield
    }) : () -> ()
    "tpu.region"() ({
      %run_scoped3A = tpu.sem_alloc : memref<!tpu.dma_semaphore, #tpu.memory_space<semaphore_mem>>
      %dma_start3A = arith.constant 0 : i32
      %dma_start3A_66 = arith.constant 0 : i32
      %dma_start3A_67 = tpu.memref_slice %arg6[%dma_start3A, %dma_start3A_66] : memref<128x128xf32, #tpu.memory_space<vmem>> -> memref<16x128xf32, #tpu.memory_space<vmem>>
      %dma_start3A_68 = arith.constant 0 : i32
      %dma_start3A_69 = arith.constant 0 : i32
      %dma_start3A_70 = tpu.memref_slice %arg5[%dma_start3A_68, %dma_start3A_69] : memref<10000x128xf32, #tpu.memory_space<vmem_shared>> -> memref<10000x128xf32, #tpu.memory_space<vmem_shared>>
      tpu.enqueue_indirect_dma source(%dma_start3A_67 : memref<16x128xf32, #tpu.memory_space<vmem>>) target(%dma_start3A_70 : memref<10000x128xf32, #tpu.memory_space<vmem_shared>>) offsets(%arg8 : memref<16xi32, #tpu.memory_space<vmem>>) semaphore(%run_scoped3A : memref<!tpu.dma_semaphore, #tpu.memory_space<semaphore_mem>>) {add = true}
      %dma_wait3A = arith.constant 0 : i32
      %dma_wait3A_71 = arith.constant 0 : i32
      %dma_wait3A_72 = tpu.memref_slice %arg6[%dma_wait3A, %dma_wait3A_71] : memref<128x128xf32, #tpu.memory_space<vmem>> -> memref<16x128xf32, #tpu.memory_space<vmem>>
      %dma_wait3A_73 = arith.constant 0 : i32
      %dma_wait3A_74 = arith.constant 0 : i32
      %dma_wait3A_75 = tpu.memref_slice %arg5[%dma_wait3A_73, %dma_wait3A_74] : memref<10000x128xf32, #tpu.memory_space<vmem_shared>> -> memref<10000x128xf32, #tpu.memory_space<vmem_shared>>
      tpu.wait_indirect_dma semaphore(%run_scoped3A : memref<!tpu.dma_semaphore, #tpu.memory_space<semaphore_mem>>) src(%dma_wait3A_72 : memref<16x128xf32, #tpu.memory_space<vmem>>) dst(%dma_wait3A_75 : memref<10000x128xf32, #tpu.memory_space<vmem_shared>>)
      tpu.yield
    }) : () -> ()
    %barrier3A_40 = arith.constant 0 : index
    tpu.barrier barrier_id(%barrier3A_40)
    %mul3A_41 = arith.constant 624 : i32
    %mul3A_42 = arith.muli %arg1, %mul3A_41 : i32
    %add3A_43 = arith.constant 0 : i32
    %add3A_44 = arith.addi %mul3A_42, %add3A_43 : i32
    "tpu.region"() ({
      %run_scoped3A = tpu.sem_alloc : memref<!tpu.dma_semaphore, #tpu.memory_space<semaphore_mem>>
      %dma_start3A = arith.constant 0 : i32
      %dma_start3A_66 = arith.constant 0 : i32
      %dma_start3A_67 = tpu.memref_slice %arg6[%dma_start3A, %dma_start3A_66] : memref<128x128xf32, #tpu.memory_space<vmem>> -> memref<128x128xf32, #tpu.memory_space<vmem>>
      %dma_start3A_68 = arith.constant 0 : i32
      %dma_start3A_69 = tpu.memref_slice %arg5[%add3A_44, %dma_start3A_68] : memref<10000x128xf32, #tpu.memory_space<vmem_shared>> -> memref<128x128xf32, #tpu.memory_space<vmem_shared>>
      %dma_start3A_70 = arith.constant 0 : i32
      %dma_start3A_71 = arith.constant 0 : i32
      %dma_start3A_72 = tpu.memref_slice %arg6[%dma_start3A_70, %dma_start3A_71] : memref<128x128xf32, #tpu.memory_space<vmem>> -> memref<128x128xf32, #tpu.memory_space<vmem>>
      %dma_start3A_73 = arith.constant 0 : i32
      %dma_start3A_74 = tpu.memref_slice %arg5[%add3A_44, %dma_start3A_73] : memref<10000x128xf32, #tpu.memory_space<vmem_shared>> -> memref<128x128xf32, #tpu.memory_space<vmem_shared>>
      tpu.enqueue_dma source(%dma_start3A_74 : memref<128x128xf32, #tpu.memory_space<vmem_shared>>) target(%dma_start3A_72 : memref<128x128xf32, #tpu.memory_space<vmem>>) target_semaphore(%run_scoped3A : memref<!tpu.dma_semaphore, #tpu.memory_space<semaphore_mem>>)
      %dma_wait3A = arith.constant 0 : i32
      %dma_wait3A_75 = arith.constant 0 : i32
      %dma_wait3A_76 = tpu.memref_slice %arg6[%dma_wait3A, %dma_wait3A_75] : memref<128x128xf32, #tpu.memory_space<vmem>> -> memref<128x128xf32, #tpu.memory_space<vmem>>
      %dma_wait3A_77 = arith.constant 0 : i32
      %dma_wait3A_78 = tpu.memref_slice %arg5[%add3A_44, %dma_wait3A_77] : memref<10000x128xf32, #tpu.memory_space<vmem_shared>> -> memref<128x128xf32, #tpu.memory_space<vmem_shared>>
      %dma_wait3A_79 = arith.constant 0 : i32
      %dma_wait3A_80 = arith.constant 0 : i32
      %dma_wait3A_81 = tpu.memref_slice %arg6[%dma_wait3A_79, %dma_wait3A_80] : memref<128x128xf32, #tpu.memory_space<vmem>> -> memref<128x128xf32, #tpu.memory_space<vmem>>
      %dma_wait3A_82 = arith.constant 0 : i32
      %dma_wait3A_83 = tpu.memref_slice %arg5[%add3A_44, %dma_wait3A_82] : memref<10000x128xf32, #tpu.memory_space<vmem_shared>> -> memref<128x128xf32, #tpu.memory_space<vmem_shared>>
      tpu.wait_dma2 semaphore(%run_scoped3A : memref<!tpu.dma_semaphore, #tpu.memory_space<semaphore_mem>>) src(%dma_wait3A_83 : memref<128x128xf32, #tpu.memory_space<vmem_shared>>) dst(%dma_wait3A_81 : memref<128x128xf32, #tpu.memory_space<vmem>>)
      tpu.yield
    }) : () -> ()
    "tpu.region"() ({
      %run_scoped3A = tpu.sem_alloc : memref<!tpu.dma_semaphore, #tpu.memory_space<semaphore_mem>>
      %dma_start3A = arith.constant 0 : i32
      %dma_start3A_66 = arith.constant 0 : i32
      %dma_start3A_67 = tpu.memref_slice %arg6[%dma_start3A, %dma_start3A_66] : memref<128x128xf32, #tpu.memory_space<vmem>> -> memref<128x128xf32, #tpu.memory_space<vmem>>
      %dma_start3A_68 = arith.constant 0 : i32
      %dma_start3A_69 = tpu.memref_slice %arg4[%arg0, %add3A_44, %dma_start3A_68] : memref<2x10000x128xf32, #tpu.memory_space<hbm>> -> memref<1x128x128xf32, #tpu.memory_space<hbm>>
      %dma_start3A_70 = tpu.memref_squeeze %dma_start3A_69 : memref<1x128x128xf32, #tpu.memory_space<hbm>> -> memref<128x128xf32, #tpu.memory_space<hbm>>
      %dma_start3A_71 = arith.constant 0 : i32
      %dma_start3A_72 = tpu.memref_slice %arg4[%arg0, %add3A_44, %dma_start3A_71] : memref<2x10000x128xf32, #tpu.memory_space<hbm>> -> memref<1x128x128xf32, #tpu.memory_space<hbm>>
      %dma_start3A_73 = tpu.memref_squeeze %dma_start3A_72 : memref<1x128x128xf32, #tpu.memory_space<hbm>> -> memref<128x128xf32, #tpu.memory_space<hbm>>
      %dma_start3A_74 = arith.constant 0 : i32
      %dma_start3A_75 = arith.constant 0 : i32
      %dma_start3A_76 = tpu.memref_slice %arg6[%dma_start3A_74, %dma_start3A_75] : memref<128x128xf32, #tpu.memory_space<vmem>> -> memref<128x128xf32, #tpu.memory_space<vmem>>
      tpu.enqueue_dma source(%dma_start3A_76 : memref<128x128xf32, #tpu.memory_space<vmem>>) target(%dma_start3A_73 : memref<128x128xf32, #tpu.memory_space<hbm>>) target_semaphore(%run_scoped3A : memref<!tpu.dma_semaphore, #tpu.memory_space<semaphore_mem>>)
      %dma_wait3A = arith.constant 0 : i32
      %dma_wait3A_77 = arith.constant 0 : i32
      %dma_wait3A_78 = tpu.memref_slice %arg6[%dma_wait3A, %dma_wait3A_77] : memref<128x128xf32, #tpu.memory_space<vmem>> -> memref<128x128xf32, #tpu.memory_space<vmem>>
      %dma_wait3A_79 = arith.constant 0 : i32
      %dma_wait3A_80 = tpu.memref_slice %arg4[%arg0, %add3A_44, %dma_wait3A_79] : memref<2x10000x128xf32, #tpu.memory_space<hbm>> -> memref<1x128x128xf32, #tpu.memory_space<hbm>>
      %dma_wait3A_81 = tpu.memref_squeeze %dma_wait3A_80 : memref<1x128x128xf32, #tpu.memory_space<hbm>> -> memref<128x128xf32, #tpu.memory_space<hbm>>
      %dma_wait3A_82 = arith.constant 0 : i32
      %dma_wait3A_83 = tpu.memref_slice %arg4[%arg0, %add3A_44, %dma_wait3A_82] : memref<2x10000x128xf32, #tpu.memory_space<hbm>> -> memref<1x128x128xf32, #tpu.memory_space<hbm>>
      %dma_wait3A_84 = tpu.memref_squeeze %dma_wait3A_83 : memref<1x128x128xf32, #tpu.memory_space<hbm>> -> memref<128x128xf32, #tpu.memory_space<hbm>>
      %dma_wait3A_85 = arith.constant 0 : i32
      %dma_wait3A_86 = arith.constant 0 : i32
      %dma_wait3A_87 = tpu.memref_slice %arg6[%dma_wait3A_85, %dma_wait3A_86] : memref<128x128xf32, #tpu.memory_space<vmem>> -> memref<128x128xf32, #tpu.memory_space<vmem>>
      tpu.wait_dma2 semaphore(%run_scoped3A : memref<!tpu.dma_semaphore, #tpu.memory_space<semaphore_mem>>) src(%dma_wait3A_87 : memref<128x128xf32, #tpu.memory_space<vmem>>) dst(%dma_wait3A_84 : memref<128x128xf32, #tpu.memory_space<hbm>>)
      tpu.yield
    }) : () -> ()
    %mul3A_45 = arith.constant 624 : i32
    %mul3A_46 = arith.muli %arg1, %mul3A_45 : i32
    %add3A_47 = arith.constant 128 : i32
    %add3A_48 = arith.addi %mul3A_46, %add3A_47 : i32
    "tpu.region"() ({
      %run_scoped3A = tpu.sem_alloc : memref<!tpu.dma_semaphore, #tpu.memory_space<semaphore_mem>>
      %dma_start3A = arith.constant 0 : i32
      %dma_start3A_66 = arith.constant 0 : i32
      %dma_start3A_67 = tpu.memref_slice %arg6[%dma_start3A, %dma_start3A_66] : memref<128x128xf32, #tpu.memory_space<vmem>> -> memref<128x128xf32, #tpu.memory_space<vmem>>
      %dma_start3A_68 = arith.constant 0 : i32
      %dma_start3A_69 = tpu.memref_slice %arg5[%add3A_48, %dma_start3A_68] : memref<10000x128xf32, #tpu.memory_space<vmem_shared>> -> memref<128x128xf32, #tpu.memory_space<vmem_shared>>
      %dma_start3A_70 = arith.constant 0 : i32
      %dma_start3A_71 = arith.constant 0 : i32
      %dma_start3A_72 = tpu.memref_slice %arg6[%dma_start3A_70, %dma_start3A_71] : memref<128x128xf32, #tpu.memory_space<vmem>> -> memref<128x128xf32, #tpu.memory_space<vmem>>
      %dma_start3A_73 = arith.constant 0 : i32
      %dma_start3A_74 = tpu.memref_slice %arg5[%add3A_48, %dma_start3A_73] : memref<10000x128xf32, #tpu.memory_space<vmem_shared>> -> memref<128x128xf32, #tpu.memory_space<vmem_shared>>
      tpu.enqueue_dma source(%dma_start3A_74 : memref<128x128xf32, #tpu.memory_space<vmem_shared>>) target(%dma_start3A_72 : memref<128x128xf32, #tpu.memory_space<vmem>>) target_semaphore(%run_scoped3A : memref<!tpu.dma_semaphore, #tpu.memory_space<semaphore_mem>>)
      %dma_wait3A = arith.constant 0 : i32
      %dma_wait3A_75 = arith.constant 0 : i32
      %dma_wait3A_76 = tpu.memref_slice %arg6[%dma_wait3A, %dma_wait3A_75] : memref<128x128xf32, #tpu.memory_space<vmem>> -> memref<128x128xf32, #tpu.memory_space<vmem>>
      %dma_wait3A_77 = arith.constant 0 : i32
      %dma_wait3A_78 = tpu.memref_slice %arg5[%add3A_48, %dma_wait3A_77] : memref<10000x128xf32, #tpu.memory_space<vmem_shared>> -> memref<128x128xf32, #tpu.memory_space<vmem_shared>>
      %dma_wait3A_79 = arith.constant 0 : i32
      %dma_wait3A_80 = arith.constant 0 : i32
      %dma_wait3A_81 = tpu.memref_slice %arg6[%dma_wait3A_79, %dma_wait3A_80] : memref<128x128xf32, #tpu.memory_space<vmem>> -> memref<128x128xf32, #tpu.memory_space<vmem>>
      %dma_wait3A_82 = arith.constant 0 : i32
      %dma_wait3A_83 = tpu.memref_slice %arg5[%add3A_48, %dma_wait3A_82] : memref<10000x128xf32, #tpu.memory_space<vmem_shared>> -> memref<128x128xf32, #tpu.memory_space<vmem_shared>>
      tpu.wait_dma2 semaphore(%run_scoped3A : memref<!tpu.dma_semaphore, #tpu.memory_space<semaphore_mem>>) src(%dma_wait3A_83 : memref<128x128xf32, #tpu.memory_space<vmem_shared>>) dst(%dma_wait3A_81 : memref<128x128xf32, #tpu.memory_space<vmem>>)
      tpu.yield
    }) : () -> ()
    "tpu.region"() ({
      %run_scoped3A = tpu.sem_alloc : memref<!tpu.dma_semaphore, #tpu.memory_space<semaphore_mem>>
      %dma_start3A = arith.constant 0 : i32
      %dma_start3A_66 = arith.constant 0 : i32
      %dma_start3A_67 = tpu.memref_slice %arg6[%dma_start3A, %dma_start3A_66] : memref<128x128xf32, #tpu.memory_space<vmem>> -> memref<128x128xf32, #tpu.memory_space<vmem>>
      %dma_start3A_68 = arith.constant 0 : i32
      %dma_start3A_69 = tpu.memref_slice %arg4[%arg0, %add3A_48, %dma_start3A_68] : memref<2x10000x128xf32, #tpu.memory_space<hbm>> -> memref<1x128x128xf32, #tpu.memory_space<hbm>>
      %dma_start3A_70 = tpu.memref_squeeze %dma_start3A_69 : memref<1x128x128xf32, #tpu.memory_space<hbm>> -> memref<128x128xf32, #tpu.memory_space<hbm>>
      %dma_start3A_71 = arith.constant 0 : i32
      %dma_start3A_72 = tpu.memref_slice %arg4[%arg0, %add3A_48, %dma_start3A_71] : memref<2x10000x128xf32, #tpu.memory_space<hbm>> -> memref<1x128x128xf32, #tpu.memory_space<hbm>>
      %dma_start3A_73 = tpu.memref_squeeze %dma_start3A_72 : memref<1x128x128xf32, #tpu.memory_space<hbm>> -> memref<128x128xf32, #tpu.memory_space<hbm>>
      %dma_start3A_74 = arith.constant 0 : i32
      %dma_start3A_75 = arith.constant 0 : i32
      %dma_start3A_76 = tpu.memref_slice %arg6[%dma_start3A_74, %dma_start3A_75] : memref<128x128xf32, #tpu.memory_space<vmem>> -> memref<128x128xf32, #tpu.memory_space<vmem>>
      tpu.enqueue_dma source(%dma_start3A_76 : memref<128x128xf32, #tpu.memory_space<vmem>>) target(%dma_start3A_73 : memref<128x128xf32, #tpu.memory_space<hbm>>) target_semaphore(%run_scoped3A : memref<!tpu.dma_semaphore, #tpu.memory_space<semaphore_mem>>)
      %dma_wait3A = arith.constant 0 : i32
      %dma_wait3A_77 = arith.constant 0 : i32
      %dma_wait3A_78 = tpu.memref_slice %arg6[%dma_wait3A, %dma_wait3A_77] : memref<128x128xf32, #tpu.memory_space<vmem>> -> memref<128x128xf32, #tpu.memory_space<vmem>>
      %dma_wait3A_79 = arith.constant 0 : i32
      %dma_wait3A_80 = tpu.memref_slice %arg4[%arg0, %add3A_48, %dma_wait3A_79] : memref<2x10000x128xf32, #tpu.memory_space<hbm>> -> memref<1x128x128xf32, #tpu.memory_space<hbm>>
      %dma_wait3A_81 = tpu.memref_squeeze %dma_wait3A_80 : memref<1x128x128xf32, #tpu.memory_space<hbm>> -> memref<128x128xf32, #tpu.memory_space<hbm>>
      %dma_wait3A_82 = arith.constant 0 : i32
      %dma_wait3A_83 = tpu.memref_slice %arg4[%arg0, %add3A_48, %dma_wait3A_82] : memref<2x10000x128xf32, #tpu.memory_space<hbm>> -> memref<1x128x128xf32, #tpu.memory_space<hbm>>
      %dma_wait3A_84 = tpu.memref_squeeze %dma_wait3A_83 : memref<1x128x128xf32, #tpu.memory_space<hbm>> -> memref<128x128xf32, #tpu.memory_space<hbm>>
      %dma_wait3A_85 = arith.constant 0 : i32
      %dma_wait3A_86 = arith.constant 0 : i32
      %dma_wait3A_87 = tpu.memref_slice %arg6[%dma_wait3A_85, %dma_wait3A_86] : memref<128x128xf32, #tpu.memory_space<vmem>> -> memref<128x128xf32, #tpu.memory_space<vmem>>
      tpu.wait_dma2 semaphore(%run_scoped3A : memref<!tpu.dma_semaphore, #tpu.memory_space<semaphore_mem>>) src(%dma_wait3A_87 : memref<128x128xf32, #tpu.memory_space<vmem>>) dst(%dma_wait3A_84 : memref<128x128xf32, #tpu.memory_space<hbm>>)
      tpu.yield
    }) : () -> ()
    %mul3A_49 = arith.constant 624 : i32
    %mul3A_50 = arith.muli %arg1, %mul3A_49 : i32
    %add3A_51 = arith.constant 256 : i32
    %add3A_52 = arith.addi %mul3A_50, %add3A_51 : i32
    "tpu.region"() ({
      %run_scoped3A = tpu.sem_alloc : memref<!tpu.dma_semaphore, #tpu.memory_space<semaphore_mem>>
      %dma_start3A = arith.constant 0 : i32
      %dma_start3A_66 = arith.constant 0 : i32
      %dma_start3A_67 = tpu.memref_slice %arg6[%dma_start3A, %dma_start3A_66] : memref<128x128xf32, #tpu.memory_space<vmem>> -> memref<128x128xf32, #tpu.memory_space<vmem>>
      %dma_start3A_68 = arith.constant 0 : i32
      %dma_start3A_69 = tpu.memref_slice %arg5[%add3A_52, %dma_start3A_68] : memref<10000x128xf32, #tpu.memory_space<vmem_shared>> -> memref<128x128xf32, #tpu.memory_space<vmem_shared>>
      %dma_start3A_70 = arith.constant 0 : i32
      %dma_start3A_71 = arith.constant 0 : i32
      %dma_start3A_72 = tpu.memref_slice %arg6[%dma_start3A_70, %dma_start3A_71] : memref<128x128xf32, #tpu.memory_space<vmem>> -> memref<128x128xf32, #tpu.memory_space<vmem>>
      %dma_start3A_73 = arith.constant 0 : i32
      %dma_start3A_74 = tpu.memref_slice %arg5[%add3A_52, %dma_start3A_73] : memref<10000x128xf32, #tpu.memory_space<vmem_shared>> -> memref<128x128xf32, #tpu.memory_space<vmem_shared>>
      tpu.enqueue_dma source(%dma_start3A_74 : memref<128x128xf32, #tpu.memory_space<vmem_shared>>) target(%dma_start3A_72 : memref<128x128xf32, #tpu.memory_space<vmem>>) target_semaphore(%run_scoped3A : memref<!tpu.dma_semaphore, #tpu.memory_space<semaphore_mem>>)
      %dma_wait3A = arith.constant 0 : i32
      %dma_wait3A_75 = arith.constant 0 : i32
      %dma_wait3A_76 = tpu.memref_slice %arg6[%dma_wait3A, %dma_wait3A_75] : memref<128x128xf32, #tpu.memory_space<vmem>> -> memref<128x128xf32, #tpu.memory_space<vmem>>
      %dma_wait3A_77 = arith.constant 0 : i32
      %dma_wait3A_78 = tpu.memref_slice %arg5[%add3A_52, %dma_wait3A_77] : memref<10000x128xf32, #tpu.memory_space<vmem_shared>> -> memref<128x128xf32, #tpu.memory_space<vmem_shared>>
      %dma_wait3A_79 = arith.constant 0 : i32
      %dma_wait3A_80 = arith.constant 0 : i32
      %dma_wait3A_81 = tpu.memref_slice %arg6[%dma_wait3A_79, %dma_wait3A_80] : memref<128x128xf32, #tpu.memory_space<vmem>> -> memref<128x128xf32, #tpu.memory_space<vmem>>
      %dma_wait3A_82 = arith.constant 0 : i32
      %dma_wait3A_83 = tpu.memref_slice %arg5[%add3A_52, %dma_wait3A_82] : memref<10000x128xf32, #tpu.memory_space<vmem_shared>> -> memref<128x128xf32, #tpu.memory_space<vmem_shared>>
      tpu.wait_dma2 semaphore(%run_scoped3A : memref<!tpu.dma_semaphore, #tpu.memory_space<semaphore_mem>>) src(%dma_wait3A_83 : memref<128x128xf32, #tpu.memory_space<vmem_shared>>) dst(%dma_wait3A_81 : memref<128x128xf32, #tpu.memory_space<vmem>>)
      tpu.yield
    }) : () -> ()
    "tpu.region"() ({
      %run_scoped3A = tpu.sem_alloc : memref<!tpu.dma_semaphore, #tpu.memory_space<semaphore_mem>>
      %dma_start3A = arith.constant 0 : i32
      %dma_start3A_66 = arith.constant 0 : i32
      %dma_start3A_67 = tpu.memref_slice %arg6[%dma_start3A, %dma_start3A_66] : memref<128x128xf32, #tpu.memory_space<vmem>> -> memref<128x128xf32, #tpu.memory_space<vmem>>
      %dma_start3A_68 = arith.constant 0 : i32
      %dma_start3A_69 = tpu.memref_slice %arg4[%arg0, %add3A_52, %dma_start3A_68] : memref<2x10000x128xf32, #tpu.memory_space<hbm>> -> memref<1x128x128xf32, #tpu.memory_space<hbm>>
      %dma_start3A_70 = tpu.memref_squeeze %dma_start3A_69 : memref<1x128x128xf32, #tpu.memory_space<hbm>> -> memref<128x128xf32, #tpu.memory_space<hbm>>
      %dma_start3A_71 = arith.constant 0 : i32
      %dma_start3A_72 = tpu.memref_slice %arg4[%arg0, %add3A_52, %dma_start3A_71] : memref<2x10000x128xf32, #tpu.memory_space<hbm>> -> memref<1x128x128xf32, #tpu.memory_space<hbm>>
      %dma_start3A_73 = tpu.memref_squeeze %dma_start3A_72 : memref<1x128x128xf32, #tpu.memory_space<hbm>> -> memref<128x128xf32, #tpu.memory_space<hbm>>
      %dma_start3A_74 = arith.constant 0 : i32
      %dma_start3A_75 = arith.constant 0 : i32
      %dma_start3A_76 = tpu.memref_slice %arg6[%dma_start3A_74, %dma_start3A_75] : memref<128x128xf32, #tpu.memory_space<vmem>> -> memref<128x128xf32, #tpu.memory_space<vmem>>
      tpu.enqueue_dma source(%dma_start3A_76 : memref<128x128xf32, #tpu.memory_space<vmem>>) target(%dma_start3A_73 : memref<128x128xf32, #tpu.memory_space<hbm>>) target_semaphore(%run_scoped3A : memref<!tpu.dma_semaphore, #tpu.memory_space<semaphore_mem>>)
      %dma_wait3A = arith.constant 0 : i32
      %dma_wait3A_77 = arith.constant 0 : i32
      %dma_wait3A_78 = tpu.memref_slice %arg6[%dma_wait3A, %dma_wait3A_77] : memref<128x128xf32, #tpu.memory_space<vmem>> -> memref<128x128xf32, #tpu.memory_space<vmem>>
      %dma_wait3A_79 = arith.constant 0 : i32
      %dma_wait3A_80 = tpu.memref_slice %arg4[%arg0, %add3A_52, %dma_wait3A_79] : memref<2x10000x128xf32, #tpu.memory_space<hbm>> -> memref<1x128x128xf32, #tpu.memory_space<hbm>>
      %dma_wait3A_81 = tpu.memref_squeeze %dma_wait3A_80 : memref<1x128x128xf32, #tpu.memory_space<hbm>> -> memref<128x128xf32, #tpu.memory_space<hbm>>
      %dma_wait3A_82 = arith.constant 0 : i32
      %dma_wait3A_83 = tpu.memref_slice %arg4[%arg0, %add3A_52, %dma_wait3A_82] : memref<2x10000x128xf32, #tpu.memory_space<hbm>> -> memref<1x128x128xf32, #tpu.memory_space<hbm>>
      %dma_wait3A_84 = tpu.memref_squeeze %dma_wait3A_83 : memref<1x128x128xf32, #tpu.memory_space<hbm>> -> memref<128x128xf32, #tpu.memory_space<hbm>>
      %dma_wait3A_85 = arith.constant 0 : i32
      %dma_wait3A_86 = arith.constant 0 : i32
      %dma_wait3A_87 = tpu.memref_slice %arg6[%dma_wait3A_85, %dma_wait3A_86] : memref<128x128xf32, #tpu.memory_space<vmem>> -> memref<128x128xf32, #tpu.memory_space<vmem>>
      tpu.wait_dma2 semaphore(%run_scoped3A : memref<!tpu.dma_semaphore, #tpu.memory_space<semaphore_mem>>) src(%dma_wait3A_87 : memref<128x128xf32, #tpu.memory_space<vmem>>) dst(%dma_wait3A_84 : memref<128x128xf32, #tpu.memory_space<hbm>>)
      tpu.yield
    }) : () -> ()
    %mul3A_53 = arith.constant 624 : i32
    %mul3A_54 = arith.muli %arg1, %mul3A_53 : i32
    %add3A_55 = arith.constant 384 : i32
    %add3A_56 = arith.addi %mul3A_54, %add3A_55 : i32
    "tpu.region"() ({
      %run_scoped3A = tpu.sem_alloc : memref<!tpu.dma_semaphore, #tpu.memory_space<semaphore_mem>>
      %dma_start3A = arith.constant 0 : i32
      %dma_start3A_66 = arith.constant 0 : i32
      %dma_start3A_67 = tpu.memref_slice %arg6[%dma_start3A, %dma_start3A_66] : memref<128x128xf32, #tpu.memory_space<vmem>> -> memref<128x128xf32, #tpu.memory_space<vmem>>
      %dma_start3A_68 = arith.constant 0 : i32
      %dma_start3A_69 = tpu.memref_slice %arg5[%add3A_56, %dma_start3A_68] : memref<10000x128xf32, #tpu.memory_space<vmem_shared>> -> memref<128x128xf32, #tpu.memory_space<vmem_shared>>
      %dma_start3A_70 = arith.constant 0 : i32
      %dma_start3A_71 = arith.constant 0 : i32
      %dma_start3A_72 = tpu.memref_slice %arg6[%dma_start3A_70, %dma_start3A_71] : memref<128x128xf32, #tpu.memory_space<vmem>> -> memref<128x128xf32, #tpu.memory_space<vmem>>
      %dma_start3A_73 = arith.constant 0 : i32
      %dma_start3A_74 = tpu.memref_slice %arg5[%add3A_56, %dma_start3A_73] : memref<10000x128xf32, #tpu.memory_space<vmem_shared>> -> memref<128x128xf32, #tpu.memory_space<vmem_shared>>
      tpu.enqueue_dma source(%dma_start3A_74 : memref<128x128xf32, #tpu.memory_space<vmem_shared>>) target(%dma_start3A_72 : memref<128x128xf32, #tpu.memory_space<vmem>>) target_semaphore(%run_scoped3A : memref<!tpu.dma_semaphore, #tpu.memory_space<semaphore_mem>>)
      %dma_wait3A = arith.constant 0 : i32
      %dma_wait3A_75 = arith.constant 0 : i32
      %dma_wait3A_76 = tpu.memref_slice %arg6[%dma_wait3A, %dma_wait3A_75] : memref<128x128xf32, #tpu.memory_space<vmem>> -> memref<128x128xf32, #tpu.memory_space<vmem>>
      %dma_wait3A_77 = arith.constant 0 : i32
      %dma_wait3A_78 = tpu.memref_slice %arg5[%add3A_56, %dma_wait3A_77] : memref<10000x128xf32, #tpu.memory_space<vmem_shared>> -> memref<128x128xf32, #tpu.memory_space<vmem_shared>>
      %dma_wait3A_79 = arith.constant 0 : i32
      %dma_wait3A_80 = arith.constant 0 : i32
      %dma_wait3A_81 = tpu.memref_slice %arg6[%dma_wait3A_79, %dma_wait3A_80] : memref<128x128xf32, #tpu.memory_space<vmem>> -> memref<128x128xf32, #tpu.memory_space<vmem>>
      %dma_wait3A_82 = arith.constant 0 : i32
      %dma_wait3A_83 = tpu.memref_slice %arg5[%add3A_56, %dma_wait3A_82] : memref<10000x128xf32, #tpu.memory_space<vmem_shared>> -> memref<128x128xf32, #tpu.memory_space<vmem_shared>>
      tpu.wait_dma2 semaphore(%run_scoped3A : memref<!tpu.dma_semaphore, #tpu.memory_space<semaphore_mem>>) src(%dma_wait3A_83 : memref<128x128xf32, #tpu.memory_space<vmem_shared>>) dst(%dma_wait3A_81 : memref<128x128xf32, #tpu.memory_space<vmem>>)
      tpu.yield
    }) : () -> ()
    "tpu.region"() ({
      %run_scoped3A = tpu.sem_alloc : memref<!tpu.dma_semaphore, #tpu.memory_space<semaphore_mem>>
      %dma_start3A = arith.constant 0 : i32
      %dma_start3A_66 = arith.constant 0 : i32
      %dma_start3A_67 = tpu.memref_slice %arg6[%dma_start3A, %dma_start3A_66] : memref<128x128xf32, #tpu.memory_space<vmem>> -> memref<128x128xf32, #tpu.memory_space<vmem>>
      %dma_start3A_68 = arith.constant 0 : i32
      %dma_start3A_69 = tpu.memref_slice %arg4[%arg0, %add3A_56, %dma_start3A_68] : memref<2x10000x128xf32, #tpu.memory_space<hbm>> -> memref<1x128x128xf32, #tpu.memory_space<hbm>>
      %dma_start3A_70 = tpu.memref_squeeze %dma_start3A_69 : memref<1x128x128xf32, #tpu.memory_space<hbm>> -> memref<128x128xf32, #tpu.memory_space<hbm>>
      %dma_start3A_71 = arith.constant 0 : i32
      %dma_start3A_72 = tpu.memref_slice %arg4[%arg0, %add3A_56, %dma_start3A_71] : memref<2x10000x128xf32, #tpu.memory_space<hbm>> -> memref<1x128x128xf32, #tpu.memory_space<hbm>>
      %dma_start3A_73 = tpu.memref_squeeze %dma_start3A_72 : memref<1x128x128xf32, #tpu.memory_space<hbm>> -> memref<128x128xf32, #tpu.memory_space<hbm>>
      %dma_start3A_74 = arith.constant 0 : i32
      %dma_start3A_75 = arith.constant 0 : i32
      %dma_start3A_76 = tpu.memref_slice %arg6[%dma_start3A_74, %dma_start3A_75] : memref<128x128xf32, #tpu.memory_space<vmem>> -> memref<128x128xf32, #tpu.memory_space<vmem>>
      tpu.enqueue_dma source(%dma_start3A_76 : memref<128x128xf32, #tpu.memory_space<vmem>>) target(%dma_start3A_73 : memref<128x128xf32, #tpu.memory_space<hbm>>) target_semaphore(%run_scoped3A : memref<!tpu.dma_semaphore, #tpu.memory_space<semaphore_mem>>)
      %dma_wait3A = arith.constant 0 : i32
      %dma_wait3A_77 = arith.constant 0 : i32
      %dma_wait3A_78 = tpu.memref_slice %arg6[%dma_wait3A, %dma_wait3A_77] : memref<128x128xf32, #tpu.memory_space<vmem>> -> memref<128x128xf32, #tpu.memory_space<vmem>>
      %dma_wait3A_79 = arith.constant 0 : i32
      %dma_wait3A_80 = tpu.memref_slice %arg4[%arg0, %add3A_56, %dma_wait3A_79] : memref<2x10000x128xf32, #tpu.memory_space<hbm>> -> memref<1x128x128xf32, #tpu.memory_space<hbm>>
      %dma_wait3A_81 = tpu.memref_squeeze %dma_wait3A_80 : memref<1x128x128xf32, #tpu.memory_space<hbm>> -> memref<128x128xf32, #tpu.memory_space<hbm>>
      %dma_wait3A_82 = arith.constant 0 : i32
      %dma_wait3A_83 = tpu.memref_slice %arg4[%arg0, %add3A_56, %dma_wait3A_82] : memref<2x10000x128xf32, #tpu.memory_space<hbm>> -> memref<1x128x128xf32, #tpu.memory_space<hbm>>
      %dma_wait3A_84 = tpu.memref_squeeze %dma_wait3A_83 : memref<1x128x128xf32, #tpu.memory_space<hbm>> -> memref<128x128xf32, #tpu.memory_space<hbm>>
      %dma_wait3A_85 = arith.constant 0 : i32
      %dma_wait3A_86 = arith.constant 0 : i32
      %dma_wait3A_87 = tpu.memref_slice %arg6[%dma_wait3A_85, %dma_wait3A_86] : memref<128x128xf32, #tpu.memory_space<vmem>> -> memref<128x128xf32, #tpu.memory_space<vmem>>
      tpu.wait_dma2 semaphore(%run_scoped3A : memref<!tpu.dma_semaphore, #tpu.memory_space<semaphore_mem>>) src(%dma_wait3A_87 : memref<128x128xf32, #tpu.memory_space<vmem>>) dst(%dma_wait3A_84 : memref<128x128xf32, #tpu.memory_space<hbm>>)
      tpu.yield
    }) : () -> ()
    %mul3A_57 = arith.constant 624 : i32
    %mul3A_58 = arith.muli %arg1, %mul3A_57 : i32
    %add3A_59 = arith.constant 512 : i32
    %add3A_60 = arith.addi %mul3A_58, %add3A_59 : i32
    "tpu.region"() ({
      %run_scoped3A = tpu.sem_alloc : memref<!tpu.dma_semaphore, #tpu.memory_space<semaphore_mem>>
      %dma_start3A = arith.constant 0 : i32
      %dma_start3A_66 = arith.constant 0 : i32
      %dma_start3A_67 = tpu.memref_slice %arg6[%dma_start3A, %dma_start3A_66] : memref<128x128xf32, #tpu.memory_space<vmem>> -> memref<112x128xf32, #tpu.memory_space<vmem>>
      %dma_start3A_68 = arith.constant 0 : i32
      %dma_start3A_69 = tpu.memref_slice %arg5[%add3A_60, %dma_start3A_68] : memref<10000x128xf32, #tpu.memory_space<vmem_shared>> -> memref<112x128xf32, #tpu.memory_space<vmem_shared>>
      %dma_start3A_70 = arith.constant 0 : i32
      %dma_start3A_71 = arith.constant 0 : i32
      %dma_start3A_72 = tpu.memref_slice %arg6[%dma_start3A_70, %dma_start3A_71] : memref<128x128xf32, #tpu.memory_space<vmem>> -> memref<112x128xf32, #tpu.memory_space<vmem>>
      %dma_start3A_73 = arith.constant 0 : i32
      %dma_start3A_74 = tpu.memref_slice %arg5[%add3A_60, %dma_start3A_73] : memref<10000x128xf32, #tpu.memory_space<vmem_shared>> -> memref<112x128xf32, #tpu.memory_space<vmem_shared>>
      tpu.enqueue_dma source(%dma_start3A_74 : memref<112x128xf32, #tpu.memory_space<vmem_shared>>) target(%dma_start3A_72 : memref<112x128xf32, #tpu.memory_space<vmem>>) target_semaphore(%run_scoped3A : memref<!tpu.dma_semaphore, #tpu.memory_space<semaphore_mem>>)
      %dma_wait3A = arith.constant 0 : i32
      %dma_wait3A_75 = arith.constant 0 : i32
      %dma_wait3A_76 = tpu.memref_slice %arg6[%dma_wait3A, %dma_wait3A_75] : memref<128x128xf32, #tpu.memory_space<vmem>> -> memref<112x128xf32, #tpu.memory_space<vmem>>
      %dma_wait3A_77 = arith.constant 0 : i32
      %dma_wait3A_78 = tpu.memref_slice %arg5[%add3A_60, %dma_wait3A_77] : memref<10000x128xf32, #tpu.memory_space<vmem_shared>> -> memref<112x128xf32, #tpu.memory_space<vmem_shared>>
      %dma_wait3A_79 = arith.constant 0 : i32
      %dma_wait3A_80 = arith.constant 0 : i32
      %dma_wait3A_81 = tpu.memref_slice %arg6[%dma_wait3A_79, %dma_wait3A_80] : memref<128x128xf32, #tpu.memory_space<vmem>> -> memref<112x128xf32, #tpu.memory_space<vmem>>
      %dma_wait3A_82 = arith.constant 0 : i32
      %dma_wait3A_83 = tpu.memref_slice %arg5[%add3A_60, %dma_wait3A_82] : memref<10000x128xf32, #tpu.memory_space<vmem_shared>> -> memref<112x128xf32, #tpu.memory_space<vmem_shared>>
      tpu.wait_dma2 semaphore(%run_scoped3A : memref<!tpu.dma_semaphore, #tpu.memory_space<semaphore_mem>>) src(%dma_wait3A_83 : memref<112x128xf32, #tpu.memory_space<vmem_shared>>) dst(%dma_wait3A_81 : memref<112x128xf32, #tpu.memory_space<vmem>>)
      tpu.yield
    }) : () -> ()
    "tpu.region"() ({
      %run_scoped3A = tpu.sem_alloc : memref<!tpu.dma_semaphore, #tpu.memory_space<semaphore_mem>>
      %dma_start3A = arith.constant 0 : i32
      %dma_start3A_66 = arith.constant 0 : i32
      %dma_start3A_67 = tpu.memref_slice %arg6[%dma_start3A, %dma_start3A_66] : memref<128x128xf32, #tpu.memory_space<vmem>> -> memref<112x128xf32, #tpu.memory_space<vmem>>
      %dma_start3A_68 = arith.constant 0 : i32
      %dma_start3A_69 = tpu.memref_slice %arg4[%arg0, %add3A_60, %dma_start3A_68] : memref<2x10000x128xf32, #tpu.memory_space<hbm>> -> memref<1x112x128xf32, #tpu.memory_space<hbm>>
      %dma_start3A_70 = tpu.memref_squeeze %dma_start3A_69 : memref<1x112x128xf32, #tpu.memory_space<hbm>> -> memref<112x128xf32, #tpu.memory_space<hbm>>
      %dma_start3A_71 = arith.constant 0 : i32
      %dma_start3A_72 = tpu.memref_slice %arg4[%arg0, %add3A_60, %dma_start3A_71] : memref<2x10000x128xf32, #tpu.memory_space<hbm>> -> memref<1x112x128xf32, #tpu.memory_space<hbm>>
      %dma_start3A_73 = tpu.memref_squeeze %dma_start3A_72 : memref<1x112x128xf32, #tpu.memory_space<hbm>> -> memref<112x128xf32, #tpu.memory_space<hbm>>
      %dma_start3A_74 = arith.constant 0 : i32
      %dma_start3A_75 = arith.constant 0 : i32
      %dma_start3A_76 = tpu.memref_slice %arg6[%dma_start3A_74, %dma_start3A_75] : memref<128x128xf32, #tpu.memory_space<vmem>> -> memref<112x128xf32, #tpu.memory_space<vmem>>
      tpu.enqueue_dma source(%dma_start3A_76 : memref<112x128xf32, #tpu.memory_space<vmem>>) target(%dma_start3A_73 : memref<112x128xf32, #tpu.memory_space<hbm>>) target_semaphore(%run_scoped3A : memref<!tpu.dma_semaphore, #tpu.memory_space<semaphore_mem>>)
      %dma_wait3A = arith.constant 0 : i32
      %dma_wait3A_77 = arith.constant 0 : i32
      %dma_wait3A_78 = tpu.memref_slice %arg6[%dma_wait3A, %dma_wait3A_77] : memref<128x128xf32, #tpu.memory_space<vmem>> -> memref<112x128xf32, #tpu.memory_space<vmem>>
      %dma_wait3A_79 = arith.constant 0 : i32
      %dma_wait3A_80 = tpu.memref_slice %arg4[%arg0, %add3A_60, %dma_wait3A_79] : memref<2x10000x128xf32, #tpu.memory_space<hbm>> -> memref<1x112x128xf32, #tpu.memory_space<hbm>>
      %dma_wait3A_81 = tpu.memref_squeeze %dma_wait3A_80 : memref<1x112x128xf32, #tpu.memory_space<hbm>> -> memref<112x128xf32, #tpu.memory_space<hbm>>
      %dma_wait3A_82 = arith.constant 0 : i32
      %dma_wait3A_83 = tpu.memref_slice %arg4[%arg0, %add3A_60, %dma_wait3A_82] : memref<2x10000x128xf32, #tpu.memory_space<hbm>> -> memref<1x112x128xf32, #tpu.memory_space<hbm>>
      %dma_wait3A_84 = tpu.memref_squeeze %dma_wait3A_83 : memref<1x112x128xf32, #tpu.memory_space<hbm>> -> memref<112x128xf32, #tpu.memory_space<hbm>>
      %dma_wait3A_85 = arith.constant 0 : i32
      %dma_wait3A_86 = arith.constant 0 : i32
      %dma_wait3A_87 = tpu.memref_slice %arg6[%dma_wait3A_85, %dma_wait3A_86] : memref<128x128xf32, #tpu.memory_space<vmem>> -> memref<112x128xf32, #tpu.memory_space<vmem>>
      tpu.wait_dma2 semaphore(%run_scoped3A : memref<!tpu.dma_semaphore, #tpu.memory_space<semaphore_mem>>) src(%dma_wait3A_87 : memref<112x128xf32, #tpu.memory_space<vmem>>) dst(%dma_wait3A_84 : memref<112x128xf32, #tpu.memory_space<hbm>>)
      tpu.yield
    }) : () -> ()
    %eq3A_61 = arith.constant 15 : i32
    %eq3A_62 = arith.cmpi eq, %arg1, %eq3A_61 : i32
    %convert_element_type3A_63 = arith.extui %eq3A_62 : i1 to i32
    %cond3A_64 = arith.constant 0 : i32
    %cond3A_65 = arith.cmpi ne, %convert_element_type3A_63, %cond3A_64 : i32
    scf.if %cond3A_65 {
      "tpu.region"() ({
        %run_scoped3A = tpu.sem_alloc : memref<!tpu.dma_semaphore, #tpu.memory_space<semaphore_mem>>
        %dma_start3A = arith.constant 0 : i32
        %dma_start3A_66 = arith.constant 0 : i32
        %dma_start3A_67 = tpu.memref_slice %arg6[%dma_start3A, %dma_start3A_66] : memref<128x128xf32, #tpu.memory_space<vmem>> -> memref<16x128xf32, #tpu.memory_space<vmem>>
        %dma_start3A_68 = arith.constant 9984 : i32
        %dma_start3A_69 = arith.constant 0 : i32
        %dma_start3A_70 = tpu.memref_slice %arg5[%dma_start3A_68, %dma_start3A_69] : memref<10000x128xf32, #tpu.memory_space<vmem_shared>> -> memref<16x128xf32, #tpu.memory_space<vmem_shared>>
        %dma_start3A_71 = arith.constant 0 : i32
        %dma_start3A_72 = arith.constant 0 : i32
        %dma_start3A_73 = tpu.memref_slice %arg6[%dma_start3A_71, %dma_start3A_72] : memref<128x128xf32, #tpu.memory_space<vmem>> -> memref<16x128xf32, #tpu.memory_space<vmem>>
        %dma_start3A_74 = arith.constant 9984 : i32
        %dma_start3A_75 = arith.constant 0 : i32
        %dma_start3A_76 = tpu.memref_slice %arg5[%dma_start3A_74, %dma_start3A_75] : memref<10000x128xf32, #tpu.memory_space<vmem_shared>> -> memref<16x128xf32, #tpu.memory_space<vmem_shared>>
        tpu.enqueue_dma source(%dma_start3A_76 : memref<16x128xf32, #tpu.memory_space<vmem_shared>>) target(%dma_start3A_73 : memref<16x128xf32, #tpu.memory_space<vmem>>) target_semaphore(%run_scoped3A : memref<!tpu.dma_semaphore, #tpu.memory_space<semaphore_mem>>)
        %dma_wait3A = arith.constant 0 : i32
        %dma_wait3A_77 = arith.constant 0 : i32
        %dma_wait3A_78 = tpu.memref_slice %arg6[%dma_wait3A, %dma_wait3A_77] : memref<128x128xf32, #tpu.memory_space<vmem>> -> memref<16x128xf32, #tpu.memory_space<vmem>>
        %dma_wait3A_79 = arith.constant 9984 : i32
        %dma_wait3A_80 = arith.constant 0 : i32
        %dma_wait3A_81 = tpu.memref_slice %arg5[%dma_wait3A_79, %dma_wait3A_80] : memref<10000x128xf32, #tpu.memory_space<vmem_shared>> -> memref<16x128xf32, #tpu.memory_space<vmem_shared>>
        %dma_wait3A_82 = arith.constant 0 : i32
        %dma_wait3A_83 = arith.constant 0 : i32
        %dma_wait3A_84 = tpu.memref_slice %arg6[%dma_wait3A_82, %dma_wait3A_83] : memref<128x128xf32, #tpu.memory_space<vmem>> -> memref<16x128xf32, #tpu.memory_space<vmem>>
        %dma_wait3A_85 = arith.constant 9984 : i32
        %dma_wait3A_86 = arith.constant 0 : i32
        %dma_wait3A_87 = tpu.memref_slice %arg5[%dma_wait3A_85, %dma_wait3A_86] : memref<10000x128xf32, #tpu.memory_space<vmem_shared>> -> memref<16x128xf32, #tpu.memory_space<vmem_shared>>
        tpu.wait_dma2 semaphore(%run_scoped3A : memref<!tpu.dma_semaphore, #tpu.memory_space<semaphore_mem>>) src(%dma_wait3A_87 : memref<16x128xf32, #tpu.memory_space<vmem_shared>>) dst(%dma_wait3A_84 : memref<16x128xf32, #tpu.memory_space<vmem>>)
        tpu.yield
      }) : () -> ()
      "tpu.region"() ({
        %run_scoped3A = tpu.sem_alloc : memref<!tpu.dma_semaphore, #tpu.memory_space<semaphore_mem>>
        %dma_start3A = arith.constant 0 : i32
        %dma_start3A_66 = arith.constant 0 : i32
        %dma_start3A_67 = tpu.memref_slice %arg6[%dma_start3A, %dma_start3A_66] : memref<128x128xf32, #tpu.memory_space<vmem>> -> memref<16x128xf32, #tpu.memory_space<vmem>>
        %dma_start3A_68 = arith.constant 9984 : i32
        %dma_start3A_69 = arith.constant 0 : i32
        %dma_start3A_70 = tpu.memref_slice %arg4[%arg0, %dma_start3A_68, %dma_start3A_69] : memref<2x10000x128xf32, #tpu.memory_space<hbm>> -> memref<1x16x128xf32, #tpu.memory_space<hbm>>
        %dma_start3A_71 = tpu.memref_squeeze %dma_start3A_70 : memref<1x16x128xf32, #tpu.memory_space<hbm>> -> memref<16x128xf32, #tpu.memory_space<hbm>>
        %dma_start3A_72 = arith.constant 9984 : i32
        %dma_start3A_73 = arith.constant 0 : i32
        %dma_start3A_74 = tpu.memref_slice %arg4[%arg0, %dma_start3A_72, %dma_start3A_73] : memref<2x10000x128xf32, #tpu.memory_space<hbm>> -> memref<1x16x128xf32, #tpu.memory_space<hbm>>
        %dma_start3A_75 = tpu.memref_squeeze %dma_start3A_74 : memref<1x16x128xf32, #tpu.memory_space<hbm>> -> memref<16x128xf32, #tpu.memory_space<hbm>>
        %dma_start3A_76 = arith.constant 0 : i32
        %dma_start3A_77 = arith.constant 0 : i32
        %dma_start3A_78 = tpu.memref_slice %arg6[%dma_start3A_76, %dma_start3A_77] : memref<128x128xf32, #tpu.memory_space<vmem>> -> memref<16x128xf32, #tpu.memory_space<vmem>>
        tpu.enqueue_dma source(%dma_start3A_78 : memref<16x128xf32, #tpu.memory_space<vmem>>) target(%dma_start3A_75 : memref<16x128xf32, #tpu.memory_space<hbm>>) target_semaphore(%run_scoped3A : memref<!tpu.dma_semaphore, #tpu.memory_space<semaphore_mem>>)
        %dma_wait3A = arith.constant 0 : i32
        %dma_wait3A_79 = arith.constant 0 : i32
        %dma_wait3A_80 = tpu.memref_slice %arg6[%dma_wait3A, %dma_wait3A_79] : memref<128x128xf32, #tpu.memory_space<vmem>> -> memref<16x128xf32, #tpu.memory_space<vmem>>
        %dma_wait3A_81 = arith.constant 9984 : i32
        %dma_wait3A_82 = arith.constant 0 : i32
        %dma_wait3A_83 = tpu.memref_slice %arg4[%arg0, %dma_wait3A_81, %dma_wait3A_82] : memref<2x10000x128xf32, #tpu.memory_space<hbm>> -> memref<1x16x128xf32, #tpu.memory_space<hbm>>
        %dma_wait3A_84 = tpu.memref_squeeze %dma_wait3A_83 : memref<1x16x128xf32, #tpu.memory_space<hbm>> -> memref<16x128xf32, #tpu.memory_space<hbm>>
        %dma_wait3A_85 = arith.constant 9984 : i32
        %dma_wait3A_86 = arith.constant 0 : i32
        %dma_wait3A_87 = tpu.memref_slice %arg4[%arg0, %dma_wait3A_85, %dma_wait3A_86] : memref<2x10000x128xf32, #tpu.memory_space<hbm>> -> memref<1x16x128xf32, #tpu.memory_space<hbm>>
        %dma_wait3A_88 = tpu.memref_squeeze %dma_wait3A_87 : memref<1x16x128xf32, #tpu.memory_space<hbm>> -> memref<16x128xf32, #tpu.memory_space<hbm>>
        %dma_wait3A_89 = arith.constant 0 : i32
        %dma_wait3A_90 = arith.constant 0 : i32
        %dma_wait3A_91 = tpu.memref_slice %arg6[%dma_wait3A_89, %dma_wait3A_90] : memref<128x128xf32, #tpu.memory_space<vmem>> -> memref<16x128xf32, #tpu.memory_space<vmem>>
        tpu.wait_dma2 semaphore(%run_scoped3A : memref<!tpu.dma_semaphore, #tpu.memory_space<semaphore_mem>>) src(%dma_wait3A_91 : memref<16x128xf32, #tpu.memory_space<vmem>>) dst(%dma_wait3A_88 : memref<16x128xf32, #tpu.memory_space<hbm>>)
        tpu.yield
      }) : () -> ()
    } else {
    }
    return
  }
}

module attributes {stable_mosaic.version = 14 : i64} {
  func.func @_combine_body(%arg0: i32, %arg1: memref<1000x128xf32, #tpu.memory_space<vmem>>, %arg2: memref<1000x128xf32, #tpu.memory_space<vmem>>, %arg3: memref<1000x128xf32, #tpu.memory_space<vmem>>, %arg4: memref<1000x128xf32, #tpu.memory_space<vmem>>) attributes {dimension_semantics = [#tpu.dimension_semantics<arbitrary>], iteration_bounds = array<i64: 10>, scalar_prefetch = 0 : i64, scratch_operands = 0 : i64, tpu.core_type = #tpu.core_type<tc>, window_params = [{transform_indices = @transform_0, window_bounds = array<i64: 1000, 128>}, {transform_indices = @transform_1, window_bounds = array<i64: 1000, 128>}, {transform_indices = @transform_2, window_bounds = array<i64: 1000, 128>}, {transform_indices = @transform_3, window_bounds = array<i64: 1000, 128>}]} {
    %get3A = arith.constant 0 : index
    %get3A_0 = arith.constant 0 : index
    %get3A_1 = vector.load %arg1[%get3A, %get3A_0] : memref<1000x128xf32, #tpu.memory_space<vmem>>, vector<1000x128xf32>
    %get3A_2 = arith.constant 0 : index
    %get3A_3 = arith.constant 0 : index
    %get3A_4 = vector.load %arg2[%get3A_2, %get3A_3] : memref<1000x128xf32, #tpu.memory_space<vmem>>, vector<1000x128xf32>
    %add3A = arith.addf %get3A_1, %get3A_4 : vector<1000x128xf32>
    %get3A_5 = arith.constant 0 : index
    %get3A_6 = arith.constant 0 : index
    %get3A_7 = vector.load %arg3[%get3A_5, %get3A_6] : memref<1000x128xf32, #tpu.memory_space<vmem>>, vector<1000x128xf32>
    %add3A_8 = arith.addf %add3A, %get3A_7 : vector<1000x128xf32>
    %swap3A = arith.constant 0 : index
    %swap3A_9 = arith.constant 0 : index
    %swap3A_10 = vector.load %arg4[%swap3A, %swap3A_9] : memref<1000x128xf32, #tpu.memory_space<vmem>>, vector<1000x128xf32>
    tpu.vector_store %arg4[%swap3A, %swap3A_9], %add3A_8 {strides = array<i32>} : memref<1000x128xf32, #tpu.memory_space<vmem>>, vector<1000x128xf32>,
    return
  }
  func.func @transform_0(%arg0: i32) -> (i32, i32) {
    %c0_i32 = arith.constant 0 : i32
    %c0_i32_0 = arith.constant 0 : i32
    return %arg0, %c0_i32 : i32, i32
  }
  func.func @transform_1(%arg0: i32) -> (i32, i32) {
    %c0_i32 = arith.constant 0 : i32
    %c0_i32_0 = arith.constant 0 : i32
    return %arg0, %c0_i32 : i32, i32
  }
  func.func @transform_2(%arg0: i32) -> (i32, i32) {
    %c0_i32 = arith.constant 0 : i32
    %c0_i32_0 = arith.constant 0 : i32
    return %arg0, %c0_i32 : i32, i32
  }
  func.func @transform_3(%arg0: i32) -> (i32, i32) {
    %c0_i32 = arith.constant 0 : i32
    %c0_i32_0 = arith.constant 0 : i32
    return %arg0, %c0_i32 : i32, i32
  }
}

</mosaic_0001>

<sc_bundles>
// kernel: kernel.4.cloned.1.call-start
scs
__scs_entry_jumppad:
0x0: {  	(pc) =	sbr.rel $0x88, $3  }
0x1: {  	(tag) =	ssettag $0x0;
	lr =	simm.s32 $0x1  }
0x2: {  	[smem:$0x3F9E] =	sst lr;
	_ =	strace $0xD0000000  }
0x3: {  	_ = 	snop  }
0x4: {  	_ = 	snop  }
0x5: {  	_ = 	snop  }
0x6: {  	_ = 	snop  }
0x7: {  	_ = 	snop  }
__scs_overlays_trampoline_lowered:
0x8: {  	[smem:$0x3FAD] =	sst s0  }
0x9: {  	[smem:$0x3FAE] =	sst s1  }
0xa: {  	[smem:$0x3FAF] =	sst s2  }
0xb: {  	[smem:$0x3FB0] =	sst s3  }
0xc: {  	[smem:$0x3FB1] =	sst s4  }
0xd: {  	[smem:$0x3FB2] =	sst s5  }
0xe: {  	[smem:$0x3FB3] =	sst s6  }
0xf: {  	[smem:$0x3FB4] =	sst s7  }
0x10: {  	[smem:$0x3FB5] =	sst s8  }
0x11: {  	[smem:$0x3FB6] =	sst s9;
	s0 =	simm.s32 @!p0 $0x0  }
0x12: {  	s1 =	sld [smem:$0x3F9C];
	s0 =	simm.s32 @p0 $0x1  }
0x13: {  	[smem:$0x3FB7] =	sst s0;
	s0 =	simm.s32 @!p1 $0x0  }
0x14: {  	s2 =	sld [smem:$0x3F9B];
	s0 =	simm.s32 @p1 $0x1  }
0x15: {  	[smem:$0x3FB8] =	sst s0;
	s0 =	simm.s32 @!p2 $0x0  }
0x16: {  	s3 =	sld [smem:$0x3FDB];
	s0 =	simm.s32 @p2 $0x1  }
0x17: {  	s4 =	simm.s32 $0x1BF5;
	[smem:$0x3FBA] =	sst s0  }
0x18: {  	s0 =	sld [smem:$0x3F9D];
	_ =	swait.ge [sflag:s4], $0x0  }
0x19: {  	s7 =	sld [smem:$0x3F9E]  }
0x1a: {  	s8 =	sadd.s32 $0xFFFFE003, lr  }
0x1b: {  	s9 =	sadd.s32 $0xFFFFFEF7, lr;
	s5 =	simm.s32 $0xFFFFFFFF;
	p2 =	slt.u32 s8, $0xFFFFF086  }
0x1c: {  	p1 =	slt.u32 s9, $0xF7A;
	s5 =	simm.s32 @!p2 $0x0  }
0x1d: {  	s5 =	simm.s32 @p1 $0x1;
	p0 =	seq.s32 s7, s2  }
0x1e: {  	s7 =	smul.u32 @!p0 $0xF7A, s2;
	p2 =	seq.s32 @!p0 s5, $0x0  }
0x1f: {  	s9 =	smul.u32 $0xF7A, s1;
	s8 =	simm.s32 @!p0 $0x1BF5;
	p2 =	por !p2, p0  }
0x20: {  	[sflag:s8] =	ssyncset.s32 @!p0 $0xFFFFF086;
	s6 =	sadd.s32 @!p0 s3, s7;
	s7 =	simm.s32 @!p0 $0x108  }
0x21: {  	s3 =	sadd.s32 s3, s9;
	s6 =	sadd.s32 @!p0 $0x88, s6;
	s7 =	simm.s32 @p2 $0x1082  }
0x22: {  	[simem:s7], [sflag:s8] =	dma.local @!p0 [hbm:s6], $0xF7A  }
0x23: {  	s9 =	sor.u32 $0xD0000000, s2;
	s6 =	simm.s32 $0x108;
	_ =	swait.ge @!p0 [sflag:s8], $0x0  }
0x24: {  	s3 =	sadd.s32 $0x88, s3;
	s6 =	simm.s32 @!p1 $0x1082;
	[sflag:s4] =	ssyncset.s32 $0xFFFFF086  }
0x25: {  	[simem:s6], [sflag:s4] =	dma.local [hbm:s3], $0xF7A  }
0x26: {  	[smem:$0x3F9E] =	sst s1;
	(tag) =	ssettag s2;
	_ =	strace s9  }
0x27: {  	s1 =	sld [smem:$0x3FAE]  }
0x28: {  	s2 =	sld [smem:$0x3FAF]  }
0x29: {  	s4 =	sld [smem:$0x3FB1]  }
0x2a: {  	p0 =	seq.s32 s5, $0x0;
	s5 =	sld [smem:$0x3FB2]  }
0x2b: {  	s6 =	sld [smem:$0x3FB3]  }
0x2c: {  	s7 =	sld [smem:$0x3FB4]  }
0x2d: {  	s3 =	simm.s32 $0x108;
	s8 =	sld [smem:$0x3FB5]  }
0x2e: {  	s3 =	simm.s32 @!p0 $0x1082;
	s9 =	sld [smem:$0x3FB6]  }
0x2f: {  	lr =	sadd.s32 s0, s3;
	s0 =	sld [smem:$0x3FAD]  }
0x30: {  	s3 =	sld [smem:$0x3FB0]  }
0x31: {  	[smem:$0x3FB9] =	sst s10  }
0x32: {  	s10 =	sld [smem:$0x3FB7];
	_ =	sdelay $0x3  }
0x33: {  	p0 =	seq.s32 s10, $0x1;
	s10 =	sld [smem:$0x3FB9];
	_ =	sdelay $0x3  }
0x34: {  	[smem:$0x3FB9] =	sst s10  }
0x35: {  	s10 =	sld [smem:$0x3FB8];
	_ =	sdelay $0x3  }
0x36: {  	p1 =	seq.s32 s10, $0x1;
	s10 =	sld [smem:$0x3FB9];
	_ =	sdelay $0x3  }
0x37: {  	[smem:$0x3FB9] =	sst s10  }
0x38: {  	s10 =	sld [smem:$0x3FBA]  }
0x39: {  	_ = 	snop;
	(pc) =	sbr.ind lr, $3  }
0x3a: {  	_ = 	snop  }
0x3b: {  	_ = 	snop  }
0x3c: {  	p2 =	seq.s32 s10, $0x1;
	s10 =	sld [smem:$0x3FB9]  }
0x3d: {  	_ =	shalt  }
0x3e: {  	_ =	shalt  }
0x3f: {  	_ =	shalt  }
0x40: {  	_ =	shalt  }
0x41: {  	_ =	shalt  }
0x42: {  	_ =	shalt  }
0x43: {  	_ =	shalt  }
0x44: {  	_ =	shalt  }
0x45: {  	_ =	shalt  }
0x46: {  	_ =	shalt  }
0x47: {  	_ =	shalt  }
0x48: {  	_ =	shalt  }
0x49: {  	_ =	shalt  }
0x4a: {  	_ =	shalt  }
0x4b: {  	_ =	shalt  }
0x4c: {  	_ =	shalt  }
0x4d: {  	_ =	shalt  }
0x4e: {  	_ =	shalt  }
0x4f: {  	_ =	shalt  }
0x50: {  	_ =	shalt  }
0x51: {  	_ =	shalt  }
0x52: {  	_ =	shalt  }
0x53: {  	_ =	shalt  }
0x54: {  	_ =	shalt  }
0x55: {  	_ =	shalt  }
0x56: {  	_ =	shalt  }
0x57: {  	_ =	shalt  }
0x58: {  	_ =	shalt  }
0x59: {  	_ =	shalt  }
0x5a: {  	_ =	shalt  }
0x5b: {  	_ =	shalt  }
0x5c: {  	_ =	shalt  }
0x5d: {  	_ =	shalt  }
0x5e: {  	_ =	shalt  }
0x5f: {  	_ =	shalt  }
0x60: {  	_ =	shalt  }
0x61: {  	_ =	shalt  }
0x62: {  	_ =	shalt  }
0x63: {  	_ =	shalt  }
0x64: {  	_ =	shalt  }
0x65: {  	_ =	shalt  }
0x66: {  	_ =	shalt  }
0x67: {  	_ =	shalt  }
0x68: {  	_ =	shalt  }
0x69: {  	_ =	shalt  }
0x6a: {  	_ =	shalt  }
0x6b: {  	_ =	shalt  }
0x6c: {  	_ =	shalt  }
0x6d: {  	_ =	shalt  }
0x6e: {  	_ =	shalt  }
0x6f: {  	_ =	shalt  }
0x70: {  	_ =	shalt  }
0x71: {  	_ =	shalt  }
0x72: {  	_ =	shalt  }
0x73: {  	_ =	shalt  }
0x74: {  	_ =	shalt  }
0x75: {  	_ =	shalt  }
0x76: {  	_ =	shalt  }
0x77: {  	_ =	shalt  }
0x78: {  	_ =	shalt  }
0x79: {  	_ =	shalt  }
0x7a: {  	_ =	shalt  }
0x7b: {  	_ =	shalt  }
0x7c: {  	_ =	shalt  }
0x7d: {  	_ =	shalt  }
0x7e: {  	_ =	shalt  }
0x7f: {  	_ =	shalt  }
0x80: {  	_ =	shalt  }
0x81: {  	_ =	shalt  }
0x82: {  	_ =	shalt  }
0x83: {  	_ =	shalt  }
0x84: {  	_ =	shalt  }
0x85: {  	_ =	shalt  }
0x86: {  	_ =	shalt  }
0x87: {  	_ =	shalt  }
.Lfunc_end0:
.L_simem_size_0:
called_computation_lowered:
.L_overlay_start_0:
0x88: {  	s2 =	sld [smem:$0x3FD9]  }
0x89: {  	s3 =	sld [smem:$0x3FFE];
	_ =	sdelay $0x1  }
0x8a: {  	s1 =	srdreg.scid  }
0x8b: {  	s0 =	sand.u32 $0x1, s1  }
0x8c: {  	s17 =	sshll.u32 s0, $0xA;
	s2 =	sadd.s32 s3, s2  }
0x8d: {  	s2 =	sadd.s32 s2, s17  }
0x8e: {  	[smem:$0x3FC5] =	sst s2  }
0x8f: {  	_ = 	snop  }
0x90: {  	s2 =	sld [smem:$0x3FC8]  }
0x91: {  	s18 =	sld [smem:$0x3FC7];
	(tm) =	ssettm $0x1  }
0x92: {  	s4 =	sld [smem:$0x3FFB];
	_ =	sdelay $0x3  }
0x93: {  	_ =	strace s4  }
0x94: {  	s4 =	sld [smem:$0x3FFC];
	_ =	sdelay $0x3  }
0x95: {  	_ =	strace s4  }
0x96: {  	s4 =	sld [smem:$0x3FFD];
	_ =	sdelay $0x3  }
0x97: {  	_ =	strace s4  }
0x98: {  	_ =	strace $0x8FFFFFFF  }
0x99: {  	s19 =	sld [smem:$0x3FDB];
	_ =	sdelay $0x1  }
0x9a: {  	s5 =	simm.s32 $_scs_section_size  }
0x9b: {  	s6 =	simm.s32 $_size__tile_overlayer_lowered;
	s7 =	simm.s32 $_tile_overlayer_lowered  }
0x9c: {  	s22 =	simm.s32 $0x1BFF;
	s21 =	sshll.u32 s7, $0x1;
	s4 =	sadd.s32 s5, s19  }
0x9d: {  	s8 =	simm.s32 $0x0;
	s20 =	sshll.u32 s6, $0x1;
	s6 =	sadd.s32 s21, s4  }
0x9e: {  	[timem:s8], [sflag:s22] =	dma.local [hbm:s6], s20  }
0x9f: {  	_ =	swait.ge [sflag:s22], s20  }
0xa0: {  	s5 =	ssub.s32 $0x0, s20;
	[sflag:s22] =	ssyncset.done $0x0  }
0xa1: {  	[sflag:s22] =	ssyncadd.s32 s5;
	_ =	sdelay $0x1  }
0xa2: {  	s23 =	simm.s32 $0x1B8B  }
0xa3: {  	_ =	swait.ge [sflag:s23], $0x1  }
0xa4: {  	[sflag:s23] =	ssyncset.done $0x0  }
0xa5: {  	s25 =	simm.s32 $0x1B8E;
	s24 =	sld [smem:$0x3FFE];
	[sflag:s23] =	ssyncadd.s32 $0xFFFFFFFF  }
0xa6: {  	s26 =	simm.s32 $execute0_lowered;
	[smem:$0x3FD2] =	sst s25  }
0xa7: {  	s6 =	sshll.u32 s26, $0x1;
	_ =	strace $0x80000046;
	[dreg:$0x1] =	wrdreg $0xFFFFFFFF  }
0xa8: {  	s28 =	simm.s32 $_size_execute0_lowered;
	s4 =	sadd.s32 s4, s6;
	[dreg:$0x0] =	wrdreg $0x0  }
0xa9: {  	s6 =	sshll.u32 s28, $0x1;
	[dreg:$0x2] =	wrdreg s4  }
0xaa: {  	[dreg:$0x3] =	wrdreg s6  }
0xab: {  	[dreg:$0x4] =	wrdreg $0xC0  }
0xac: {  	_ =	task [dreg:s8], $0x5FFFF  }
0xad: {  	[dreg:$0x1] =	wrdreg $0xFFFFFFFF  }
0xae: {  	[dreg:$0x0] =	wrdreg $0x60  }
0xaf: {  	[dreg:$0x2] =	wrdreg s2  }
0xb0: {  	[dreg:$0x3] =	wrdreg s18  }
0xb1: {  	[dreg:$0x4] =	wrdreg s24  }
0xb2: {  	[dreg:$0x5] =	wrdreg $0x0  }
0xb3: {  	[dreg:$0x6] =	wrdreg $0x9  }
0xb4: {  	_ =	task.clear_ibuf [dreg:s8], $0x7FFFF;
	_ =	strace $0x90000046  }
0xb5: {  	s29 =	simm.s32 $0x9;
	_ =	strace $0x80000048  }
0xb6: {  	_ =	swait.ge [sflag:s29], $0x1  }
0xb7: {  	[sflag:s29] =	ssyncadd.s32 $0xFFFFFFFF  }
0xb8: {  	_ =	strace $0x90000048  }
0xb9: {  	_ =	sfence  }
0xba: {  	s30 =	sld [smem:$0x0];
	_ =	sdelay $0x2  }
0xbb: {  	s31 =	sshll.u32 s1, $0xD;
	s1 =	sshrl.u32 s1, $0x2  }
0xbc: {  	s3 =	sand.u32 $0x4000, s31;
	s1 =	sadd.s32 s1, s30  }
0xbd: {  	s0 =	sor.u32 s3, s0;
	s1 =	sshll.u32 s1, $0x11  }
0xbe: {  	s0 =	sor.u32 s1, s0  }
0xbf: {  	s0 =	sadd.s32 $0x8F2B, s0  }
0xc0: {  	[sflag:s0] =	ssyncadd.remote.s32 $0x1  }
0xc1: {  	_ =	sfence.sel $0xFFFF  }
0xc2: {  	[dreg:$0x0] =	wrdreg $0xFFFFFFFF;
	(pc) =	sbr.abs _section_cstart, $3  }
0xc3: {  	[dreg:$0x1] =	wrdreg $0xFFFFFFFF  }
0xc4: {  	_ =	task.clear_ibuf [dreg:s8], $0x2FFFF;
	_ =	strace $0x9FFFFFFF  }
0xc5: {  	(tm) =	ssettm $0x7FFFFFFF  }
tec
execute0_lowered:
.L_overlay_start_1:
0x0: {  	(tag) =	ssettag $0x1  }
0x1: {  	s18 =	rddreg [dreg:$0x0]  }
0x2: {  	s20 =	rddreg [dreg:$0x1]  }
0x3: {  	s4 =	rddreg [dreg:$0x2]  }
0x4: {  	s1 =	rddreg [dreg:$0x3];
	s3 =	simm.s32 $0x0;
	s5 =	srdreg.scid  }
0x5: {  	s0 =	stileid.u32;
	s28 =	simm.s32 $0x0;
	[smem:$0x7FF] =	sst s3  }
0x6: {  	s16 =	sand.u32 $0x1, s5;
	s6 =	smul.u32 $0x4E000, s0;
	s17 =	sadd.s32 $0x800, s4  }
0x7: {  	s11 =	smul.u32 $0x13800, s0;
	s9 =	sadd.s32 $0x138000, s1;
	p0 =	sne.s32 s0, $0xF  }
0x8: {  	_ =	strace $0x80000047;
	s5 =	ssub.s32 $0x2, s16;
	s7 =	sshll.u32 s16, $0x4  }
0x9: {  	s2 =	smul.u32 $0x271000, s16;
	s22 =	sshrl.u32 s5, $0x1;
	s7 =	sor.u32 s0, s7  }
0xa: {  	s6 =	sshrl.u32 s6, $0x2;
	s12 =	sadd.s32 $0x4000, s11;
	s13 =	sadd.s32 $0x8000, s11  }
0xb: {  	s14 =	sadd.s32 $0xC000, s11;
	s21 =	sadd.s32 $0x10000, s11;
	s8 =	smul.u32 $0x2710, s7  }
0xc: {  	s19 =	ssub.s32 s5, s22;
	s4 =	sadd.s32 s6, s1;
	s22 =	smul.u32 $0x138800, s16  }
0xd: {  	s5 =	sadd.s32 s12, s1;
	s6 =	sadd.s32 s13, s1;
	s7 =	sadd.s32 s14, s1  }
0xe: {  	s15 =	sadd.s32 $0x2700, s8;
	s8 =	sadd.s32 s21, s1;
	s23 =	sadd.s32 s11, s22  }
0xf: {  	s24 =	sadd.s32 s22, s12;
	s26 =	sadd.s32 s22, s13;
	s30 =	sadd.s32 s22, s14  }
0x10: {  	s21 =	sadd.s32 s22, s21;
	s10 =	sshrl.u32 s15, $0x3;
	s15 =	sshll.u32 s15, $0x4  }
0x11: {  	s23 =	sshrl.u32 s23, $0x3;
	s25 =	sshrl.u32 s24, $0x3;
	s29 =	sshrl.u32 s26, $0x3  }
0x12: {  	s31 =	sshrl.u32 s30, $0x3;
	s24 =	smul.u32 $0x27100, s16;
	s26 =	sshrl.u32 s22, $0x3  }
0x13: {  	s30 =	smul.u32 $0x27100, s0;
	s10 =	sadd.s32 s20, s10;
	s11 =	sadd.s32 s18, s15  }
0x14: {  	s12 =	sadd.s32 s17, s23;
	s13 =	sadd.s32 s17, s25;
	s14 =	sadd.s32 s17, s29  }
0x15: {  	s15 =	sadd.s32 s17, s31;
	s25 =	sshrl.u32 s21, $0x3;
	s29 =	smul.u32 $0x2710, s0  }
0x16: {  	s23 =	sadd.s32 s2, s18;
	s18 =	smax.u32 s19, $0x1;
	s21 =	simm.s32 $0x13880  }
0x17: {  	s16 =	sadd.s32 s17, s25;
	s17 =	sadd.s32 s17, s26;
	s19 =	sadd.s32 s30, s23  }
0x18: {  	s23 =	simm.s32 $0x17880;
	s25 =	simm.s32 $0x17900;
	s22 =	sadd.s32 s29, s24  }
0x19: {  	s26 =	simm.s32 $0x10;
	s17 =	sadd.s32 $0x27000, s17;
	s31 =	sshrl.u32 s22, $0x3  }
0x1a: {  	v0 =	vimm.f32 $0.0e+00;
	s24 =	simm.s32 $0x80;
	s22 =	simm.s32 $0x1;
	s20 =	sadd.s32 s31, s20  }
.LBB2_1:
0x1b: {  	s29 =	simm.s32 $0x0;
	s30 =	simm.s32 $0x200  }
.LBB2_2:
0x1c: {  	p1 =	sne.s32 s30, $0xFE00;
	[tilespmem:s29+$0x138F0] =	vst v0  }
0x1d: {  	[tilespmem:s29+$0x13880] =	vst v0  }
0x1e: {  	[tilespmem:s29+$0x13890] =	vst v0  }
.Ltmp0:
0x1f: {  	[tilespmem:s29+$0x138A0] =	vst v0;
	(pc) =	sbr.rel @p1 .LBB2_2-.Ltmp0, $4  }
0x20: {  	[tilespmem:s29+$0x138B0] =	vst v0  }
0x21: {  	[tilespmem:s29+$0x138C0] =	vst v0  }
0x22: {  	[tilespmem:s29+$0x138D0] =	vst v0  }
0x23: {  	[tilespmem:s29+$0x138E0] =	vst v0;
	s29 =	sshra.s32 s30, $0x2;
	s30 =	sadd.s32 $0x200, s30  }
0x24: {  	[tilespmem:s29+$0x138F0] =	vst v0  }
0x25: {  	[tilespmem:s29+$0x13880] =	vst v0  }
0x26: {  	[tilespmem:s29+$0x13890] =	vst v0  }
0x27: {  	[tilespmem:s29+$0x138A0] =	vst v0  }
0x28: {  	[tilespmem:s29+$0x138B0] =	vst v0  }
0x29: {  	[tilespmem:s29+$0x138C0] =	vst v0  }
0x2a: {  	[tilespmem:s29+$0x138D0] =	vst v0  }
0x2b: {  	[tilespmem:s29+$0x138E0] =	vst v0  }
0x2c: {  	[spmem:s4] =	stream.linear.scatter [tilespmem:s21], [sflag:$0x1], $0x4000, $0x38;
	[tilespmem:$0x17980] =	vst v63  }
0x2d: {  	_ =	swait.ge [sflag:s22], $0x4000  }
0x2e: {  	[sflag:s22] =	ssyncset.done $0x0  }
0x2f: {  	[sflag:s22] =	ssyncadd.s32 $0xFFFFC000  }
0x30: {  	[spmem:s5] =	stream.linear.scatter [tilespmem:s21], [sflag:$0x1], $0x4000, $0x38;
	[tilespmem:$0x17980] =	vst v63  }
0x31: {  	_ =	swait.ge [sflag:s22], $0x4000  }
0x32: {  	[sflag:s22] =	ssyncset.done $0x0  }
0x33: {  	[sflag:s22] =	ssyncadd.s32 $0xFFFFC000  }
0x34: {  	[spmem:s6] =	stream.linear.scatter [tilespmem:s21], [sflag:$0x1], $0x4000, $0x38;
	[tilespmem:$0x17980] =	vst v63  }
0x35: {  	_ =	swait.ge [sflag:s22], $0x4000  }
0x36: {  	[sflag:s22] =	ssyncset.done $0x0  }
0x37: {  	[sflag:s22] =	ssyncadd.s32 $0xFFFFC000  }
0x38: {  	[spmem:s7] =	stream.linear.scatter [tilespmem:s21], [sflag:$0x1], $0x4000, $0x38;
	[tilespmem:$0x17980] =	vst v63  }
0x39: {  	_ =	swait.ge [sflag:s22], $0x4000  }
0x3a: {  	[sflag:s22] =	ssyncset.done $0x0  }
0x3b: {  	[sflag:s22] =	ssyncadd.s32 $0xFFFFC000  }
0x3c: {  	[spmem:s8] =	stream.linear.scatter [tilespmem:s21], [sflag:$0x1], $0x3800, $0x38;
	[tilespmem:$0x17980] =	vst v63  }
0x3d: {  	_ =	swait.ge [sflag:s22], $0x3800  }
0x3e: {  	[sflag:s22] =	ssyncset.done $0x0  }
0x3f: {  	s29 =	simm.s32 @!p0 $0x13880;
	[sflag:s22] =	ssyncadd.s32 $0xFFFFC800  }
0x40: {  	[spmem:s9] =	stream.linear.scatter @!p0 [tilespmem:s29], [sflag:$0x1], $0x800, $0x38;
	[tilespmem:$0x17980] =	vst v63  }
0x41: {  	s29 =	simm.s32 @!p0 $0x1  }
0x42: {  	_ =	swait.ge @!p0 [sflag:s29], $0x800  }
0x43: {  	[sflag:s29] =	ssyncset.done @!p0 $0x0  }
0x44: {  	[sflag:s29] =	ssyncadd.s32 @!p0 $0xFFFFF800  }
0x45: {  	s29 =	sadd.s32 $0x0, s20;
	[bflag:$0x0] =	sbarrier.arrive $0xFFFF  }
0x46: {  	[tilespmem:s23], [sflag:$0x1] =	stream.linear.gather [hbm4b:s29+s3], $0x80, $0x38;
	[tilespmem:$0x17980] =	vst v63  }
0x47: {  	_ =	swait.ge [sflag:s22], $0x80  }
0x48: {  	[sflag:s22] =	ssyncset.done $0x0  }
0x49: {  	[sflag:s22] =	ssyncadd.s32 $0xFFFFFF80  }
0x4a: {  	[tilespmem:s21], [sflag:$0x1] =	stream.linear.gather [hbm4b:s19+s3], $0x4000, $0x38;
	[tilespmem:$0x17980] =	vst v63  }
0x4b: {  	_ =	swait.ge [sflag:s22], $0x4000  }
0x4c: {  	[sflag:s22] =	ssyncset.done $0x0  }
0x4d: {  	[sflag:s22] =	ssyncadd.s32 $0xFFFFC000  }
0x4e: {  	[spmem:s1] =	stream.indirect.scatter.add.f32 [tilespmem:s21], [sflag:$0x1], $0x80, s23, s24, $0xb8;
	[tilespmem:$0x17980] =	vst v63  }
0x4f: {  	s30 =	simm.s32 $0x10;
	_ =	swait.ge [sflag:s22], $0x4000  }
0x50: {  	s31 =	simm.s32 $0x20;
	s29 =	sadd.s32 $0x800, s19;
	[sflag:s22] =	ssyncset.done $0x0  }
.LBB2_4:
0x51: {  	s0 =	sadd.s32 s30, s20  }
0x52: {  	[sflag:s22] =	ssyncadd.s32 $0xFFFFC000;
	s30 =	smov.u32 s31;
	s2 =	sadd.s32 $0x10, s31  }
0x53: {  	[tilespmem:s23], [sflag:$0x1] =	stream.linear.gather [hbm4b:s0+s3], $0x80, $0x38;
	[tilespmem:$0x17980] =	vst v63  }
0x54: {  	p1 =	sne.s32 s31, $0x4D0;
	_ =	swait.ge [sflag:s22], $0x80  }
0x55: {  	[sflag:s22] =	ssyncset.done $0x0  }
0x56: {  	[sflag:s22] =	ssyncadd.s32 $0xFFFFFF80  }
0x57: {  	[tilespmem:s21], [sflag:$0x1] =	stream.linear.gather [hbm4b:s29+s3], $0x4000, $0x38;
	[tilespmem:$0x17980] =	vst v63  }
0x58: {  	_ =	swait.ge [sflag:s22], $0x4000  }
.Ltmp1:
0x59: {  	[sflag:s22] =	ssyncset.done $0x0;
	(pc) =	sbr.rel @p1 .LBB2_4-.Ltmp1, $4  }
0x5a: {  	[sflag:s22] =	ssyncadd.s32 $0xFFFFC000  }
0x5b: {  	[spmem:s1] =	stream.indirect.scatter.add.f32 [tilespmem:s21], [sflag:$0x1], $0x80, s23, s24, $0xb8;
	[tilespmem:$0x17980] =	vst v63  }
0x5c: {  	_ =	swait.ge [sflag:s22], $0x4000  }
0x5d: {  	s31 =	smov.u32 s2;
	s29 =	sadd.s32 $0x800, s29;
	[sflag:s22] =	ssyncset.done $0x0  }
0x5e: {  	s0 =	sadd.s32 s30, s20;
	[sflag:s22] =	ssyncadd.s32 $0xFFFFC000  }
0x5f: {  	[tilespmem:s23], [sflag:$0x1] =	stream.linear.gather [hbm4b:s0+s3], $0x80, $0x38;
	[tilespmem:$0x17980] =	vst v63  }
0x60: {  	_ =	swait.ge [sflag:s22], $0x80  }
0x61: {  	[sflag:s22] =	ssyncset.done $0x0  }
0x62: {  	[sflag:s22] =	ssyncadd.s32 $0xFFFFFF80  }
0x63: {  	[tilespmem:s21], [sflag:$0x1] =	stream.linear.gather [hbm4b:s29+s3], $0x4000, $0x38;
	[tilespmem:$0x17980] =	vst v63  }
0x64: {  	_ =	swait.ge [sflag:s22], $0x4000  }
0x65: {  	[sflag:s22] =	ssyncset.done $0x0  }
0x66: {  	[sflag:s22] =	ssyncadd.s32 $0xFFFFC000  }
0x67: {  	[spmem:s1] =	stream.indirect.scatter.add.f32 [tilespmem:s21], [sflag:$0x1], $0x80, s23, s24, $0xb8;
	[tilespmem:$0x17980] =	vst v63  }
0x68: {  	_ =	swait.ge [sflag:s22], $0x4000  }
0x69: {  	[sflag:s22] =	ssyncset.done $0x0  }
0x6a: {  	[sflag:s22] =	ssyncadd.s32 $0xFFFFC000  }
0x6b: {  	[tilespmem:s25], [sflag:$0x1] =	stream.linear.gather [hbm4b:s10+s3], $0x10, $0x38;
	[tilespmem:$0x17980] =	vst v63  }
0x6c: {  	_ =	swait.ge [sflag:s22], $0x10  }
0x6d: {  	[sflag:s22] =	ssyncset.done $0x0  }
0x6e: {  	[sflag:s22] =	ssyncadd.s32 $0xFFFFFFF0  }
0x6f: {  	[tilespmem:s21], [sflag:$0x1] =	stream.linear.gather [hbm4b:s11+s3], $0x800, $0x38;
	[tilespmem:$0x17980] =	vst v63  }
0x70: {  	_ =	swait.ge [sflag:s22], $0x800  }
0x71: {  	[sflag:s22] =	ssyncset.done $0x0  }
0x72: {  	[sflag:s22] =	ssyncadd.s32 $0xFFFFF800  }
0x73: {  	[spmem:s1] =	stream.indirect.scatter.add.f32 [tilespmem:s21], [sflag:$0x1], $0x80, s25, s26, $0xb8;
	[tilespmem:$0x17980] =	vst v63  }
0x74: {  	_ =	swait.ge [sflag:s22], $0x800  }
0x75: {  	[sflag:s22] =	ssyncset.done $0x0  }
0x76: {  	[sflag:s22] =	ssyncadd.s32 $0xFFFFF800  }
0x77: {  	[bflag:$0x0] =	sbarrier.arrive $0xFFFF  }
0x78: {  	[tilespmem:s21], [sflag:$0x1] =	stream.linear.gather [spmem:s4], $0x4000, $0x38;
	[tilespmem:$0x17980] =	vst v63  }
0x79: {  	_ =	swait.ge [sflag:s22], $0x4000  }
0x7a: {  	[sflag:s22] =	ssyncset.done $0x0  }
0x7b: {  	[sflag:s22] =	ssyncadd.s32 $0xFFFFC000  }
0x7c: {  	[hbm4b:s12+s3] =	stream.linear.scatter [tilespmem:s21], [sflag:$0x1], $0x4000, $0x38;
	[tilespmem:$0x17980] =	vst v63  }
0x7d: {  	_ =	swait.ge [sflag:s22], $0x4000  }
0x7e: {  	[sflag:s22] =	ssyncset.done $0x0  }
0x7f: {  	[sflag:s22] =	ssyncadd.s32 $0xFFFFC000  }
0x80: {  	[tilespmem:s21], [sflag:$0x1] =	stream.linear.gather [spmem:s5], $0x4000, $0x38;
	[tilespmem:$0x17980] =	vst v63  }
0x81: {  	_ =	swait.ge [sflag:s22], $0x4000  }
0x82: {  	[sflag:s22] =	ssyncset.done $0x0  }
0x83: {  	[sflag:s22] =	ssyncadd.s32 $0xFFFFC000  }
0x84: {  	[hbm4b:s13+s3] =	stream.linear.scatter [tilespmem:s21], [sflag:$0x1], $0x4000, $0x38;
	[tilespmem:$0x17980] =	vst v63  }
0x85: {  	_ =	swait.ge [sflag:s22], $0x4000  }
0x86: {  	[sflag:s22] =	ssyncset.done $0x0  }
0x87: {  	[sflag:s22] =	ssyncadd.s32 $0xFFFFC000  }
0x88: {  	[tilespmem:s21], [sflag:$0x1] =	stream.linear.gather [spmem:s6], $0x4000, $0x38;
	[tilespmem:$0x17980] =	vst v63  }
0x89: {  	_ =	swait.ge [sflag:s22], $0x4000  }
0x8a: {  	[sflag:s22] =	ssyncset.done $0x0  }
0x8b: {  	[sflag:s22] =	ssyncadd.s32 $0xFFFFC000  }
0x8c: {  	[hbm4b:s14+s3] =	stream.linear.scatter [tilespmem:s21], [sflag:$0x1], $0x4000, $0x38;
	[tilespmem:$0x17980] =	vst v63  }
0x8d: {  	_ =	swait.ge [sflag:s22], $0x4000  }
0x8e: {  	[sflag:s22] =	ssyncset.done $0x0  }
0x8f: {  	[sflag:s22] =	ssyncadd.s32 $0xFFFFC000  }
0x90: {  	[tilespmem:s21], [sflag:$0x1] =	stream.linear.gather [spmem:s7], $0x4000, $0x38;
	[tilespmem:$0x17980] =	vst v63  }
0x91: {  	_ =	swait.ge [sflag:s22], $0x4000  }
0x92: {  	[sflag:s22] =	ssyncset.done $0x0  }
0x93: {  	[sflag:s22] =	ssyncadd.s32 $0xFFFFC000  }
0x94: {  	[hbm4b:s15+s3] =	stream.linear.scatter [tilespmem:s21], [sflag:$0x1], $0x4000, $0x38;
	[tilespmem:$0x17980] =	vst v63  }
0x95: {  	_ =	swait.ge [sflag:s22], $0x4000  }
0x96: {  	[sflag:s22] =	ssyncset.done $0x0  }
0x97: {  	[sflag:s22] =	ssyncadd.s32 $0xFFFFC000  }
0x98: {  	[tilespmem:s21], [sflag:$0x1] =	stream.linear.gather [spmem:s8], $0x3800, $0x38;
	[tilespmem:$0x17980] =	vst v63  }
0x99: {  	_ =	swait.ge [sflag:s22], $0x3800  }
0x9a: {  	[sflag:s22] =	ssyncset.done $0x0  }
0x9b: {  	[sflag:s22] =	ssyncadd.s32 $0xFFFFC800  }
0x9c: {  	[hbm4b:s16+s3] =	stream.linear.scatter [tilespmem:s21], [sflag:$0x1], $0x3800, $0x38;
	[tilespmem:$0x17980] =	vst v63  }
0x9d: {  	_ =	swait.ge [sflag:s22], $0x3800  }
0x9e: {  	[sflag:s22] =	ssyncset.done $0x0  }
0x9f: {  	s2 =	simm.s32 @!p0 $0x1;
	s0 =	simm.s32 @!p0 $0x13880;
	[sflag:s22] =	ssyncadd.s32 $0xFFFFC800  }
0xa0: {  	[tilespmem:s0], [sflag:$0x1] =	stream.linear.gather @!p0 [spmem:s9], $0x800, $0x38;
	[tilespmem:$0x17980] =	vst v63  }
0xa1: {  	s28 =	sadd.s32 $0x1, s28;
	_ =	swait.ge @!p0 [sflag:s2], $0x800  }
0xa2: {  	p1 =	sne.s32 s28, s18;
	[sflag:s2] =	ssyncset.done @!p0 $0x0  }
.Ltmp2:
0xa3: {  	s29 =	simm.s32 @!p0 $0x0;
	[sflag:s2] =	ssyncadd.s32 @!p0 $0xFFFFF800;
	(pc) =	sbr.rel @p1 .LBB2_1-.Ltmp2, $4  }
0xa4: {  	[hbm4b:s17+s29] =	stream.linear.scatter @!p0 [tilespmem:s0], [sflag:$0x1], $0x800, $0x38;
	[tilespmem:$0x17980] =	vst v63  }
0xa5: {  	_ =	swait.ge @!p0 [sflag:s2], $0x800  }
0xa6: {  	[sflag:s2] =	ssyncset.done @!p0 $0x0  }
0xa7: {  	[sflag:s2] =	ssyncadd.s32 @!p0 $0xFFFFF800  }
0xa8: {  	_ =	sfence.sel $0x180000  }
0xa9: {  	[bflag:$0x0] =	sbarrier.arrive $0xFFFF  }
0xaa: {  	_ =	strace $0x90000047  }
0xab: {  	s0 =	stileid.u32;
	[bflag:$0x2] =	sbarrier.arrive $0xFFFF  }
0xac: {  	p0 =	sne.s32 s0, $0x0;
	s0 =	rddreg [dreg:$0x4]  }
0xad: {  	s0 =	sadd.s32 @!p0 $0x100000, s0  }
0xae: {  	[sflag:s0] =	ssyncadd.tile.s32 @!p0 $0x1;
	_ =	shalt  }
.Lfunc_end2:
_tile_overlayer_lowered:
.L_overlay_start_2:
0xaf: {  	(tag) =	ssettag $0x2  }
0xb0: {  	s0 =	rddreg [dreg:$0x0];
	s2 =	stileid.u32  }
0xb1: {  	s1 =	rddreg [dreg:$0x1];
	p0 =	sne.s32 s2, $0x0  }
0xb2: {  	s3 =	rddreg [dreg:$0x2];
	[bflag:$0x3] =	sbarrier.arrive $0xFFFF;
	s2 =	simm.s32 @!p0 $0x1C01  }
0xb3: {  	[timem:s3], [sflag:s2] =	dma.local @!p0 [hbm:s0], s1  }
0xb4: {  	s0 =	simm.s32 @!p0 $0x1  }
0xb5: {  	_ =	swait.ge @!p0 [sflag:s0], s1  }
0xb6: {  	s1 =	ssub.s32 @!p0 $0x0, s1;
	[sflag:s0] =	ssyncset.done @!p0 $0x0  }
0xb7: {  	[sflag:s0] =	ssyncadd.s32 @!p0 s1  }
0xb8: {  	[bflag:$0x3] =	sbarrier.arrive $0xFFFF  }
0xb9: {  	_ =	shalt  }

</sc_bundles>
